<compile_context>
chip_gen: v7x
topology: tpu7x:2x2x1
jax: 0.10.2.dev20260603
libtpu: 0.0.44.dev20260713+nightly
codegen_flags: <defaults>
</compile_context>

<pallas_src>
import functools

import jax
import jax.numpy as jnp
from jax import lax
from jax.experimental import pallas as pl
from jax.experimental.pallas import tpu as pltpu
from jax.experimental.pallas import tpu_sc as plsc

VOCAB = 1000000
EMBED_DIM = 32
BATCH = 16384

NUM_CORES = 2
NUM_SUBCORES = 16
NUM_WORKERS = NUM_CORES * NUM_SUBCORES
ROWS_PER_WORKER = BATCH // NUM_WORKERS
LANES = 128
NSLOTS = 8
NROUNDS = ROWS_PER_WORKER // NSLOTS


def _gather_body(tabT_hbm, idx_hbm, outT_hbm, idx_sh, idx_s, colT, *rest):
    slots = rest[:NSLOTS]
    sems = rest[NSLOTS:]
    sid = lax.axis_index("s")
    wid = sid * NUM_CORES + lax.axis_index("c")
    base = wid * ROWS_PER_WORKER
    pltpu.sync_copy(idx_hbm.at[pl.ds(base, ROWS_PER_WORKER)], idx_sh.at[sid])
    pltpu.sync_copy(idx_sh.at[sid], idx_s)

    lane16 = lax.iota(jnp.int32, 16)

    def fire(u, j):
        tile_base = pl.multiple_of((idx_s[j] >> 7) * LANES, LANES)
        pltpu.async_copy(
            tabT_hbm.at[:, pl.ds(tile_base, LANES)], slots[u], sems[u]
        )

    def land(u, j):
        pltpu.make_async_copy(
            tabT_hbm.at[:, pl.ds(0, LANES)], slots[u], sems[u]
        ).wait()
        r = jnp.full((16,), idx_s[j] & (LANES - 1), jnp.int32)
        jv = jnp.full((16,), j, jnp.int32)
        lo = plsc.load_gather(slots[u], [lane16, r])
        hi = plsc.load_gather(slots[u], [lane16 + 16, r])
        plsc.store_scatter(colT, [lane16, jv], lo)
        plsc.store_scatter(colT, [lane16 + 16, jv], hi)

    for u in range(NSLOTS):
        fire(u, u)

    def round_body(i, carry):
        for u in range(NSLOTS):
            land(u, (i - 1) * NSLOTS + u)

            @pl.when(i < NROUNDS)
            def _():
                fire(u, i * NSLOTS + u)

        return carry

    lax.fori_loop(1, NROUNDS + 1, round_body, 0, unroll=False)
    pltpu.sync_copy(colT, outT_hbm.at[:, pl.ds(base, ROWS_PER_WORKER)])


@jax.jit
def kernel(indices, table):
    idx = indices.astype(jnp.int32)
    tabT = table.T
    mesh = plsc.VectorSubcoreMesh(core_axis_name="c", subcore_axis_name="s")
    scratch = [
        pltpu.VMEM_SHARED((NUM_SUBCORES, ROWS_PER_WORKER), jnp.int32),
        pltpu.SMEM((ROWS_PER_WORKER,), jnp.int32),
        pltpu.VMEM((EMBED_DIM, ROWS_PER_WORKER), jnp.float32),
    ]
    scratch += [
        pltpu.VMEM((EMBED_DIM, LANES), jnp.float32) for _ in range(NSLOTS)
    ]
    scratch += [pltpu.SemaphoreType.DMA for _ in range(NSLOTS)]
    run = functools.partial(
        pl.kernel,
        mesh=mesh,
        out_type=jax.ShapeDtypeStruct((EMBED_DIM, BATCH), jnp.float32),
        scratch_types=scratch,
        compiler_params=pltpu.CompilerParams(needs_layout_passes=False),
    )(_gather_body)
    outT = run(tabT, idx)
    return outT.T

# --- scband reference (transcript-rebuilt; emitter-appended) ---
"""Pipeline reference for scband-movie-model-55594056680075 (READ-ONLY COPY).

The authoritative reference and input builder live on the scoring server;
editing this copy changes nothing except your own understanding.
"""

import jax, jax.numpy as jnp
import numpy as np

VOCAB = 1000000
EMBED_DIM = 32
BATCH = 16384

def setup_inputs(seed: int = 0) -> dict:
    key = jax.random.key(seed)
    k_idx, k_tab = jax.random.split(key)
    indices = jax.random.randint(k_idx, (BATCH,), 0, VOCAB, dtype=jnp.int64 if jax.config.jax_enable_x64 else jnp.int32)
    # Embedding table (learned parameter), matching tf.feature_column.embedding_column
    # default initializer scale ~ 1/sqrt(embedding_dimension)
    table = jax.random.normal(k_tab, (VOCAB, EMBED_DIM), dtype=jnp.float32) / jnp.sqrt(EMBED_DIM)
    return {"indices": indices, "table": table}

def reference(indices, table):
    # MovieModel.call: DenseFeatures with a single embedding_column over movie_id vocab.
    # Each input is a single id -> plain embedding row lookup (mean combiner over 1 value = identity).
    return jnp.take(table, indices, axis=0)

if __name__ == "__main__":
    import jax
    _d = setup_inputs()
    print(jax.jit(kernel)(*tuple(_d.values())))

</pallas_src>

<mosaic_0001>
#map = affine_map<(d0, d1) -> (0, 0)>
#map1 = affine_map<(d0, d1) -> (0)>
module attributes {stable_mosaic.version = 14 : i64} {
  func.func @_gather_body(%arg0: i32, %arg1: i32, %arg2: memref<32x1000000xf32, #tpu.memory_space<hbm>>, %arg3: memref<16384xi32, #tpu.memory_space<hbm>>, %arg4: memref<32x16384xf32, #tpu.memory_space<hbm>>, %arg5: memref<16x512xi32, #tpu.memory_space<vmem_shared>>, %arg6: memref<512xi32, #tpu.memory_space<smem>>, %arg7: memref<32x512xf32, #tpu.memory_space<vmem>>, %arg8: memref<32x128xf32, #tpu.memory_space<vmem>>, %arg9: memref<32x128xf32, #tpu.memory_space<vmem>>, %arg10: memref<32x128xf32, #tpu.memory_space<vmem>>, %arg11: memref<32x128xf32, #tpu.memory_space<vmem>>, %arg12: memref<32x128xf32, #tpu.memory_space<vmem>>, %arg13: memref<32x128xf32, #tpu.memory_space<vmem>>, %arg14: memref<32x128xf32, #tpu.memory_space<vmem>>, %arg15: memref<32x128xf32, #tpu.memory_space<vmem>>, %arg16: memref<!tpu.dma_semaphore, #tpu.memory_space<semaphore_mem>>, %arg17: memref<!tpu.dma_semaphore, #tpu.memory_space<semaphore_mem>>, %arg18: memref<!tpu.dma_semaphore, #tpu.memory_space<semaphore_mem>>, %arg19: memref<!tpu.dma_semaphore, #tpu.memory_space<semaphore_mem>>, %arg20: memref<!tpu.dma_semaphore, #tpu.memory_space<semaphore_mem>>, %arg21: memref<!tpu.dma_semaphore, #tpu.memory_space<semaphore_mem>>, %arg22: memref<!tpu.dma_semaphore, #tpu.memory_space<semaphore_mem>>, %arg23: memref<!tpu.dma_semaphore, #tpu.memory_space<semaphore_mem>>) attributes {dimension_semantics = [#tpu.dimension_semantics<core_parallel>, #tpu.dimension_semantics<subcore_parallel>], iteration_bounds = array<i64: 2, 16>, scalar_prefetch = 0 : i64, scratch_operands = 19 : i64, tpu.core_type = #tpu.core_type<sc_vector_subcore>, window_params = [{transform_indices = #map}, {transform_indices = #map1}, {transform_indices = #map}]} {
    %mul3A = arith.constant 2 : i32
    %mul3A_0 = arith.muli %arg1, %mul3A : i32
    %add3A = arith.addi %mul3A_0, %arg0 : i32
    %mul3A_1 = arith.constant 512 : i32
    %mul3A_2 = arith.muli %add3A, %mul3A_1 : i32
    "tpu.region"() ({
      %run_scoped3A = tpu.sem_alloc : memref<!tpu.dma_semaphore, #tpu.memory_space<semaphore_mem>>
      %dma_start3A_100 = arith.constant 0 : i32
      %dma_start3A_101 = tpu.memref_slice %arg5[%arg1, %dma_start3A_100] : memref<16x512xi32, #tpu.memory_space<vmem_shared>> -> memref<1x512xi32, #tpu.memory_space<vmem_shared>>
      %dma_start3A_102 = tpu.memref_squeeze %dma_start3A_101 : memref<1x512xi32, #tpu.memory_space<vmem_shared>> -> memref<512xi32, #tpu.memory_space<vmem_shared>>
      %dma_start3A_103 = tpu.memref_slice %arg3[%mul3A_2] : memref<16384xi32, #tpu.memory_space<hbm>> -> memref<512xi32, #tpu.memory_space<hbm>>
      tpu.enqueue_dma source(%dma_start3A_103 : memref<512xi32, #tpu.memory_space<hbm>>) target(%dma_start3A_102 : memref<512xi32, #tpu.memory_space<vmem_shared>>) target_semaphore(%run_scoped3A : memref<!tpu.dma_semaphore, #tpu.memory_space<semaphore_mem>>)
      %dma_wait3A = arith.constant 0 : i32
      %dma_wait3A_104 = tpu.memref_slice %arg5[%arg1, %dma_wait3A] : memref<16x512xi32, #tpu.memory_space<vmem_shared>> -> memref<1x512xi32, #tpu.memory_space<vmem_shared>>
      %dma_wait3A_105 = tpu.memref_squeeze %dma_wait3A_104 : memref<1x512xi32, #tpu.memory_space<vmem_shared>> -> memref<512xi32, #tpu.memory_space<vmem_shared>>
      %dma_wait3A_106 = tpu.memref_slice %arg3[%mul3A_2] : memref<16384xi32, #tpu.memory_space<hbm>> -> memref<512xi32, #tpu.memory_space<hbm>>
      tpu.wait_dma2 semaphore(%run_scoped3A : memref<!tpu.dma_semaphore, #tpu.memory_space<semaphore_mem>>) src(%dma_wait3A_106 : memref<512xi32, #tpu.memory_space<hbm>>) dst(%dma_wait3A_105 : memref<512xi32, #tpu.memory_space<vmem_shared>>)
      tpu.yield
    }) : () -> ()
    "tpu.region"() ({
      %run_scoped3A = tpu.sem_alloc : memref<!tpu.dma_semaphore, #tpu.memory_space<semaphore_mem>>
      %dma_start3A_100 = arith.constant 0 : i32
      %dma_start3A_101 = tpu.memref_slice %arg5[%arg1, %dma_start3A_100] : memref<16x512xi32, #tpu.memory_space<vmem_shared>> -> memref<1x512xi32, #tpu.memory_space<vmem_shared>>
      %dma_start3A_102 = tpu.memref_squeeze %dma_start3A_101 : memref<1x512xi32, #tpu.memory_space<vmem_shared>> -> memref<512xi32, #tpu.memory_space<vmem_shared>>
      tpu.enqueue_dma source(%dma_start3A_102 : memref<512xi32, #tpu.memory_space<vmem_shared>>) target(%arg6 : memref<512xi32, #tpu.memory_space<smem>>) target_semaphore(%run_scoped3A : memref<!tpu.dma_semaphore, #tpu.memory_space<semaphore_mem>>)
      %dma_wait3A = arith.constant 0 : i32
      %dma_wait3A_103 = tpu.memref_slice %arg5[%arg1, %dma_wait3A] : memref<16x512xi32, #tpu.memory_space<vmem_shared>> -> memref<1x512xi32, #tpu.memory_space<vmem_shared>>
      %dma_wait3A_104 = tpu.memref_squeeze %dma_wait3A_103 : memref<1x512xi32, #tpu.memory_space<vmem_shared>> -> memref<512xi32, #tpu.memory_space<vmem_shared>>
      tpu.wait_dma2 semaphore(%run_scoped3A : memref<!tpu.dma_semaphore, #tpu.memory_space<semaphore_mem>>) src(%dma_wait3A_104 : memref<512xi32, #tpu.memory_space<vmem_shared>>) dst(%arg6 : memref<512xi32, #tpu.memory_space<smem>>)
      tpu.yield
    }) : () -> ()
    %iota3A = tpu.iota {dimensions = array<i32: 0>} : vector<16xi32>
    %get3A = arith.constant 0 : i32
    %get3A_3 = arith.index_cast %get3A : i32 to index
    %get3A_4 = memref.load %arg6[%get3A_3] : memref<512xi32, #tpu.memory_space<smem>>
    %shift_right_arithmetic3A = arith.constant 7 : i32
    %shift_right_arithmetic3A_5 = arith.shrsi %get3A_4, %shift_right_arithmetic3A : i32
    %mul3A_6 = arith.constant 128 : i32
    %mul3A_7 = arith.muli %shift_right_arithmetic3A_5, %mul3A_6 : i32
    %multiple_of3A = tpu.assume_multiple %mul3A_7, 128 : i32
    %dma_start3A = arith.constant 0 : i32
    %dma_start3A_8 = tpu.memref_slice %arg2[%dma_start3A, %multiple_of3A] : memref<32x1000000xf32, #tpu.memory_space<hbm>> -> memref<32x128xf32, #tpu.memory_space<hbm>>
    %dma_start3A_9 = arith.constant 0 : i32
    %dma_start3A_10 = tpu.memref_slice %arg2[%dma_start3A_9, %multiple_of3A] : memref<32x1000000xf32, #tpu.memory_space<hbm>> -> memref<32x128xf32, #tpu.memory_space<hbm>>
    tpu.enqueue_dma source(%dma_start3A_10 : memref<32x128xf32, #tpu.memory_space<hbm>>) target(%arg8 : memref<32x128xf32, #tpu.memory_space<vmem>>) target_semaphore(%arg16 : memref<!tpu.dma_semaphore, #tpu.memory_space<semaphore_mem>>)
    %get3A_11 = arith.constant 1 : i32
    %get3A_12 = arith.index_cast %get3A_11 : i32 to index
    %get3A_13 = memref.load %arg6[%get3A_12] : memref<512xi32, #tpu.memory_space<smem>>
    %shift_right_arithmetic3A_14 = arith.constant 7 : i32
    %shift_right_arithmetic3A_15 = arith.shrsi %get3A_13, %shift_right_arithmetic3A_14 : i32
    %mul3A_16 = arith.constant 128 : i32
    %mul3A_17 = arith.muli %shift_right_arithmetic3A_15, %mul3A_16 : i32
    %multiple_of3A_18 = tpu.assume_multiple %mul3A_17, 128 : i32
    %dma_start3A_19 = arith.constant 0 : i32
    %dma_start3A_20 = tpu.memref_slice %arg2[%dma_start3A_19, %multiple_of3A_18] : memref<32x1000000xf32, #tpu.memory_space<hbm>> -> memref<32x128xf32, #tpu.memory_space<hbm>>
    %dma_start3A_21 = arith.constant 0 : i32
    %dma_start3A_22 = tpu.memref_slice %arg2[%dma_start3A_21, %multiple_of3A_18] : memref<32x1000000xf32, #tpu.memory_space<hbm>> -> memref<32x128xf32, #tpu.memory_space<hbm>>
    tpu.enqueue_dma source(%dma_start3A_22 : memref<32x128xf32, #tpu.memory_space<hbm>>) target(%arg9 : memref<32x128xf32, #tpu.memory_space<vmem>>) target_semaphore(%arg17 : memref<!tpu.dma_semaphore, #tpu.memory_space<semaphore_mem>>)
    %get3A_23 = arith.constant 2 : i32
    %get3A_24 = arith.index_cast %get3A_23 : i32 to index
    %get3A_25 = memref.load %arg6[%get3A_24] : memref<512xi32, #tpu.memory_space<smem>>
    %shift_right_arithmetic3A_26 = arith.constant 7 : i32
    %shift_right_arithmetic3A_27 = arith.shrsi %get3A_25, %shift_right_arithmetic3A_26 : i32
    %mul3A_28 = arith.constant 128 : i32
    %mul3A_29 = arith.muli %shift_right_arithmetic3A_27, %mul3A_28 : i32
    %multiple_of3A_30 = tpu.assume_multiple %mul3A_29, 128 : i32
    %dma_start3A_31 = arith.constant 0 : i32
    %dma_start3A_32 = tpu.memref_slice %arg2[%dma_start3A_31, %multiple_of3A_30] : memref<32x1000000xf32, #tpu.memory_space<hbm>> -> memref<32x128xf32, #tpu.memory_space<hbm>>
    %dma_start3A_33 = arith.constant 0 : i32
    %dma_start3A_34 = tpu.memref_slice %arg2[%dma_start3A_33, %multiple_of3A_30] : memref<32x1000000xf32, #tpu.memory_space<hbm>> -> memref<32x128xf32, #tpu.memory_space<hbm>>
    tpu.enqueue_dma source(%dma_start3A_34 : memref<32x128xf32, #tpu.memory_space<hbm>>) target(%arg10 : memref<32x128xf32, #tpu.memory_space<vmem>>) target_semaphore(%arg18 : memref<!tpu.dma_semaphore, #tpu.memory_space<semaphore_mem>>)
    %get3A_35 = arith.constant 3 : i32
    %get3A_36 = arith.index_cast %get3A_35 : i32 to index
    %get3A_37 = memref.load %arg6[%get3A_36] : memref<512xi32, #tpu.memory_space<smem>>
    %shift_right_arithmetic3A_38 = arith.constant 7 : i32
    %shift_right_arithmetic3A_39 = arith.shrsi %get3A_37, %shift_right_arithmetic3A_38 : i32
    %mul3A_40 = arith.constant 128 : i32
    %mul3A_41 = arith.muli %shift_right_arithmetic3A_39, %mul3A_40 : i32
    %multiple_of3A_42 = tpu.assume_multiple %mul3A_41, 128 : i32
    %dma_start3A_43 = arith.constant 0 : i32
    %dma_start3A_44 = tpu.memref_slice %arg2[%dma_start3A_43, %multiple_of3A_42] : memref<32x1000000xf32, #tpu.memory_space<hbm>> -> memref<32x128xf32, #tpu.memory_space<hbm>>
    %dma_start3A_45 = arith.constant 0 : i32
    %dma_start3A_46 = tpu.memref_slice %arg2[%dma_start3A_45, %multiple_of3A_42] : memref<32x1000000xf32, #tpu.memory_space<hbm>> -> memref<32x128xf32, #tpu.memory_space<hbm>>
    tpu.enqueue_dma source(%dma_start3A_46 : memref<32x128xf32, #tpu.memory_space<hbm>>) target(%arg11 : memref<32x128xf32, #tpu.memory_space<vmem>>) target_semaphore(%arg19 : memref<!tpu.dma_semaphore, #tpu.memory_space<semaphore_mem>>)
    %get3A_47 = arith.constant 4 : i32
    %get3A_48 = arith.index_cast %get3A_47 : i32 to index
    %get3A_49 = memref.load %arg6[%get3A_48] : memref<512xi32, #tpu.memory_space<smem>>
    %shift_right_arithmetic3A_50 = arith.constant 7 : i32
    %shift_right_arithmetic3A_51 = arith.shrsi %get3A_49, %shift_right_arithmetic3A_50 : i32
    %mul3A_52 = arith.constant 128 : i32
    %mul3A_53 = arith.muli %shift_right_arithmetic3A_51, %mul3A_52 : i32
    %multiple_of3A_54 = tpu.assume_multiple %mul3A_53, 128 : i32
    %dma_start3A_55 = arith.constant 0 : i32
    %dma_start3A_56 = tpu.memref_slice %arg2[%dma_start3A_55, %multiple_of3A_54] : memref<32x1000000xf32, #tpu.memory_space<hbm>> -> memref<32x128xf32, #tpu.memory_space<hbm>>
    %dma_start3A_57 = arith.constant 0 : i32
    %dma_start3A_58 = tpu.memref_slice %arg2[%dma_start3A_57, %multiple_of3A_54] : memref<32x1000000xf32, #tpu.memory_space<hbm>> -> memref<32x128xf32, #tpu.memory_space<hbm>>
    tpu.enqueue_dma source(%dma_start3A_58 : memref<32x128xf32, #tpu.memory_space<hbm>>) target(%arg12 : memref<32x128xf32, #tpu.memory_space<vmem>>) target_semaphore(%arg20 : memref<!tpu.dma_semaphore, #tpu.memory_space<semaphore_mem>>)
    %get3A_59 = arith.constant 5 : i32
    %get3A_60 = arith.index_cast %get3A_59 : i32 to index
    %get3A_61 = memref.load %arg6[%get3A_60] : memref<512xi32, #tpu.memory_space<smem>>
    %shift_right_arithmetic3A_62 = arith.constant 7 : i32
    %shift_right_arithmetic3A_63 = arith.shrsi %get3A_61, %shift_right_arithmetic3A_62 : i32
    %mul3A_64 = arith.constant 128 : i32
    %mul3A_65 = arith.muli %shift_right_arithmetic3A_63, %mul3A_64 : i32
    %multiple_of3A_66 = tpu.assume_multiple %mul3A_65, 128 : i32
    %dma_start3A_67 = arith.constant 0 : i32
    %dma_start3A_68 = tpu.memref_slice %arg2[%dma_start3A_67, %multiple_of3A_66] : memref<32x1000000xf32, #tpu.memory_space<hbm>> -> memref<32x128xf32, #tpu.memory_space<hbm>>
    %dma_start3A_69 = arith.constant 0 : i32
    %dma_start3A_70 = tpu.memref_slice %arg2[%dma_start3A_69, %multiple_of3A_66] : memref<32x1000000xf32, #tpu.memory_space<hbm>> -> memref<32x128xf32, #tpu.memory_space<hbm>>
    tpu.enqueue_dma source(%dma_start3A_70 : memref<32x128xf32, #tpu.memory_space<hbm>>) target(%arg13 : memref<32x128xf32, #tpu.memory_space<vmem>>) target_semaphore(%arg21 : memref<!tpu.dma_semaphore, #tpu.memory_space<semaphore_mem>>)
    %get3A_71 = arith.constant 6 : i32
    %get3A_72 = arith.index_cast %get3A_71 : i32 to index
    %get3A_73 = memref.load %arg6[%get3A_72] : memref<512xi32, #tpu.memory_space<smem>>
    %shift_right_arithmetic3A_74 = arith.constant 7 : i32
    %shift_right_arithmetic3A_75 = arith.shrsi %get3A_73, %shift_right_arithmetic3A_74 : i32
    %mul3A_76 = arith.constant 128 : i32
    %mul3A_77 = arith.muli %shift_right_arithmetic3A_75, %mul3A_76 : i32
    %multiple_of3A_78 = tpu.assume_multiple %mul3A_77, 128 : i32
    %dma_start3A_79 = arith.constant 0 : i32
    %dma_start3A_80 = tpu.memref_slice %arg2[%dma_start3A_79, %multiple_of3A_78] : memref<32x1000000xf32, #tpu.memory_space<hbm>> -> memref<32x128xf32, #tpu.memory_space<hbm>>
    %dma_start3A_81 = arith.constant 0 : i32
    %dma_start3A_82 = tpu.memref_slice %arg2[%dma_start3A_81, %multiple_of3A_78] : memref<32x1000000xf32, #tpu.memory_space<hbm>> -> memref<32x128xf32, #tpu.memory_space<hbm>>
    tpu.enqueue_dma source(%dma_start3A_82 : memref<32x128xf32, #tpu.memory_space<hbm>>) target(%arg14 : memref<32x128xf32, #tpu.memory_space<vmem>>) target_semaphore(%arg22 : memref<!tpu.dma_semaphore, #tpu.memory_space<semaphore_mem>>)
    %get3A_83 = arith.constant 7 : i32
    %get3A_84 = arith.index_cast %get3A_83 : i32 to index
    %get3A_85 = memref.load %arg6[%get3A_84] : memref<512xi32, #tpu.memory_space<smem>>
    %shift_right_arithmetic3A_86 = arith.constant 7 : i32
    %shift_right_arithmetic3A_87 = arith.shrsi %get3A_85, %shift_right_arithmetic3A_86 : i32
    %mul3A_88 = arith.constant 128 : i32
    %mul3A_89 = arith.muli %shift_right_arithmetic3A_87, %mul3A_88 : i32
    %multiple_of3A_90 = tpu.assume_multiple %mul3A_89, 128 : i32
    %dma_start3A_91 = arith.constant 0 : i32
    %dma_start3A_92 = tpu.memref_slice %arg2[%dma_start3A_91, %multiple_of3A_90] : memref<32x1000000xf32, #tpu.memory_space<hbm>> -> memref<32x128xf32, #tpu.memory_space<hbm>>
    %dma_start3A_93 = arith.constant 0 : i32
    %dma_start3A_94 = tpu.memref_slice %arg2[%dma_start3A_93, %multiple_of3A_90] : memref<32x1000000xf32, #tpu.memory_space<hbm>> -> memref<32x128xf32, #tpu.memory_space<hbm>>
    tpu.enqueue_dma source(%dma_start3A_94 : memref<32x128xf32, #tpu.memory_space<hbm>>) target(%arg15 : memref<32x128xf32, #tpu.memory_space<vmem>>) target_semaphore(%arg23 : memref<!tpu.dma_semaphore, #tpu.memory_space<semaphore_mem>>)
    %scan3A = arith.constant 0 : i32
    %scan3A_95 = arith.constant 1 : i32
    %scan3A_96 = arith.constant 64 : i32
    %scan3A_97 = arith.addi %scan3A_95, %scan3A_96 : i32
    %scan3A_98 = arith.constant 1 : i32
    scf.for %scan3A_100 = %scan3A_95 to %scan3A_97 step %scan3A_98  : i32 {
      %sub3A = arith.constant 1 : i32
      %sub3A_101 = arith.subi %scan3A_100, %sub3A : i32
      %mul3A_102 = arith.constant 8 : i32
      %mul3A_103 = arith.muli %sub3A_101, %mul3A_102 : i32
      %add3A_104 = arith.constant 0 : i32
      %add3A_105 = arith.addi %mul3A_103, %add3A_104 : i32
      %dma_wait3A = arith.constant 0 : i32
      %dma_wait3A_106 = arith.constant 0 : i32
      %dma_wait3A_107 = tpu.memref_slice %arg2[%dma_wait3A, %dma_wait3A_106] : memref<32x1000000xf32, #tpu.memory_space<hbm>> -> memref<32x128xf32, #tpu.memory_space<hbm>>
      %dma_wait3A_108 = arith.constant 0 : i32
      %dma_wait3A_109 = arith.constant 0 : i32
      %dma_wait3A_110 = tpu.memref_slice %arg2[%dma_wait3A_108, %dma_wait3A_109] : memref<32x1000000xf32, #tpu.memory_space<hbm>> -> memref<32x128xf32, #tpu.memory_space<hbm>>
      tpu.wait_dma2 semaphore(%arg16 : memref<!tpu.dma_semaphore, #tpu.memory_space<semaphore_mem>>) src(%dma_wait3A_110 : memref<32x128xf32, #tpu.memory_space<hbm>>) dst(%arg8 : memref<32x128xf32, #tpu.memory_space<vmem>>)
      %get3A_111 = arith.index_cast %add3A_105 : i32 to index
      %get3A_112 = memref.load %arg6[%get3A_111] : memref<512xi32, #tpu.memory_space<smem>>
      %and3A = arith.constant 127 : i32
      %and3A_113 = arith.andi %get3A_112, %and3A : i32
      %broadcast_in_dim3A = vector.broadcast %and3A_113 : i32 to vector<16xi32>
      %broadcast_in_dim3A_114 = vector.broadcast %add3A_105 : i32 to vector<16xi32>
      %gather3A = tpu.vector_load_idx %arg8[%iota3A, %broadcast_in_dim3A] : memref<32x128xf32, #tpu.memory_space<vmem>>[vector<16xi32>, vector<16xi32>], vector<16xf32>,
      %add3A_115 = arith.constant 16 : i32
      %add3A_116 = vector.broadcast %add3A_115 : i32 to vector<16xi32>
      %add3A_117 = arith.addi %iota3A, %add3A_116 : vector<16xi32>
      %gather3A_118 = tpu.vector_load_idx %arg8[%add3A_117, %broadcast_in_dim3A] : memref<32x128xf32, #tpu.memory_space<vmem>>[vector<16xi32>, vector<16xi32>], vector<16xf32>,
      tpu.vector_store_idx %arg7[%iota3A, %broadcast_in_dim3A_114], %gather3A : memref<32x512xf32, #tpu.memory_space<vmem>>[vector<16xi32>, vector<16xi32>], vector<16xf32>,
      %add3A_119 = arith.constant 16 : i32
      %add3A_120 = vector.broadcast %add3A_119 : i32 to vector<16xi32>
      %add3A_121 = arith.addi %iota3A, %add3A_120 : vector<16xi32>
      tpu.vector_store_idx %arg7[%add3A_121, %broadcast_in_dim3A_114], %gather3A_118 : memref<32x512xf32, #tpu.memory_space<vmem>>[vector<16xi32>, vector<16xi32>], vector<16xf32>,
      %lt3A = arith.constant 64 : i32
      %lt3A_122 = arith.cmpi slt, %scan3A_100, %lt3A : i32
      %convert_element_type3A = arith.extui %lt3A_122 : i1 to i32
      %cond3A = arith.constant 0 : i32
      %cond3A_123 = arith.cmpi ne, %convert_element_type3A, %cond3A : i32
      scf.if %cond3A_123 {
        %mul3A_341 = arith.constant 8 : i32
        %mul3A_342 = arith.muli %scan3A_100, %mul3A_341 : i32
        %add3A_343 = arith.constant 0 : i32
        %add3A_344 = arith.addi %mul3A_342, %add3A_343 : i32
        %get3A_345 = arith.index_cast %add3A_344 : i32 to index
        %get3A_346 = memref.load %arg6[%get3A_345] : memref<512xi32, #tpu.memory_space<smem>>
        %shift_right_arithmetic3A_347 = arith.constant 7 : i32
        %shift_right_arithmetic3A_348 = arith.shrsi %get3A_346, %shift_right_arithmetic3A_347 : i32
        %mul3A_349 = arith.constant 128 : i32
        %mul3A_350 = arith.muli %shift_right_arithmetic3A_348, %mul3A_349 : i32
        %multiple_of3A_351 = tpu.assume_multiple %mul3A_350, 128 : i32
        %dma_start3A_352 = arith.constant 0 : i32
        %dma_start3A_353 = tpu.memref_slice %arg2[%dma_start3A_352, %multiple_of3A_351] : memref<32x1000000xf32, #tpu.memory_space<hbm>> -> memref<32x128xf32, #tpu.memory_space<hbm>>
        %dma_start3A_354 = arith.constant 0 : i32
        %dma_start3A_355 = tpu.memref_slice %arg2[%dma_start3A_354, %multiple_of3A_351] : memref<32x1000000xf32, #tpu.memory_space<hbm>> -> memref<32x128xf32, #tpu.memory_space<hbm>>
        tpu.enqueue_dma source(%dma_start3A_355 : memref<32x128xf32, #tpu.memory_space<hbm>>) target(%arg8 : memref<32x128xf32, #tpu.memory_space<vmem>>) target_semaphore(%arg16 : memref<!tpu.dma_semaphore, #tpu.memory_space<semaphore_mem>>)
      } else {
      }
      %sub3A_124 = arith.constant 1 : i32
      %sub3A_125 = arith.subi %scan3A_100, %sub3A_124 : i32
      %mul3A_126 = arith.constant 8 : i32
      %mul3A_127 = arith.muli %sub3A_125, %mul3A_126 : i32
      %add3A_128 = arith.constant 1 : i32
      %add3A_129 = arith.addi %mul3A_127, %add3A_128 : i32
      %dma_wait3A_130 = arith.constant 0 : i32
      %dma_wait3A_131 = arith.constant 0 : i32
      %dma_wait3A_132 = tpu.memref_slice %arg2[%dma_wait3A_130, %dma_wait3A_131] : memref<32x1000000xf32, #tpu.memory_space<hbm>> -> memref<32x128xf32, #tpu.memory_space<hbm>>
      %dma_wait3A_133 = arith.constant 0 : i32
      %dma_wait3A_134 = arith.constant 0 : i32
      %dma_wait3A_135 = tpu.memref_slice %arg2[%dma_wait3A_133, %dma_wait3A_134] : memref<32x1000000xf32, #tpu.memory_space<hbm>> -> memref<32x128xf32, #tpu.memory_space<hbm>>
      tpu.wait_dma2 semaphore(%arg17 : memref<!tpu.dma_semaphore, #tpu.memory_space<semaphore_mem>>) src(%dma_wait3A_135 : memref<32x128xf32, #tpu.memory_space<hbm>>) dst(%arg9 : memref<32x128xf32, #tpu.memory_space<vmem>>)
      %get3A_136 = arith.index_cast %add3A_129 : i32 to index
      %get3A_137 = memref.load %arg6[%get3A_136] : memref<512xi32, #tpu.memory_space<smem>>
      %and3A_138 = arith.constant 127 : i32
      %and3A_139 = arith.andi %get3A_137, %and3A_138 : i32
      %broadcast_in_dim3A_140 = vector.broadcast %and3A_139 : i32 to vector<16xi32>
      %broadcast_in_dim3A_141 = vector.broadcast %add3A_129 : i32 to vector<16xi32>
      %gather3A_142 = tpu.vector_load_idx %arg9[%iota3A, %broadcast_in_dim3A_140] : memref<32x128xf32, #tpu.memory_space<vmem>>[vector<16xi32>, vector<16xi32>], vector<16xf32>,
      %add3A_143 = arith.constant 16 : i32
      %add3A_144 = vector.broadcast %add3A_143 : i32 to vector<16xi32>
      %add3A_145 = arith.addi %iota3A, %add3A_144 : vector<16xi32>
      %gather3A_146 = tpu.vector_load_idx %arg9[%add3A_145, %broadcast_in_dim3A_140] : memref<32x128xf32, #tpu.memory_space<vmem>>[vector<16xi32>, vector<16xi32>], vector<16xf32>,
      tpu.vector_store_idx %arg7[%iota3A, %broadcast_in_dim3A_141], %gather3A_142 : memref<32x512xf32, #tpu.memory_space<vmem>>[vector<16xi32>, vector<16xi32>], vector<16xf32>,
      %add3A_147 = arith.constant 16 : i32
      %add3A_148 = vector.broadcast %add3A_147 : i32 to vector<16xi32>
      %add3A_149 = arith.addi %iota3A, %add3A_148 : vector<16xi32>
      tpu.vector_store_idx %arg7[%add3A_149, %broadcast_in_dim3A_141], %gather3A_146 : memref<32x512xf32, #tpu.memory_space<vmem>>[vector<16xi32>, vector<16xi32>], vector<16xf32>,
      %lt3A_150 = arith.constant 64 : i32
      %lt3A_151 = arith.cmpi slt, %scan3A_100, %lt3A_150 : i32
      %convert_element_type3A_152 = arith.extui %lt3A_151 : i1 to i32
      %cond3A_153 = arith.constant 0 : i32
      %cond3A_154 = arith.cmpi ne, %convert_element_type3A_152, %cond3A_153 : i32
      scf.if %cond3A_154 {
        %mul3A_341 = arith.constant 8 : i32
        %mul3A_342 = arith.muli %scan3A_100, %mul3A_341 : i32
        %add3A_343 = arith.constant 1 : i32
        %add3A_344 = arith.addi %mul3A_342, %add3A_343 : i32
        %get3A_345 = arith.index_cast %add3A_344 : i32 to index
        %get3A_346 = memref.load %arg6[%get3A_345] : memref<512xi32, #tpu.memory_space<smem>>
        %shift_right_arithmetic3A_347 = arith.constant 7 : i32
        %shift_right_arithmetic3A_348 = arith.shrsi %get3A_346, %shift_right_arithmetic3A_347 : i32
        %mul3A_349 = arith.constant 128 : i32
        %mul3A_350 = arith.muli %shift_right_arithmetic3A_348, %mul3A_349 : i32
        %multiple_of3A_351 = tpu.assume_multiple %mul3A_350, 128 : i32
        %dma_start3A_352 = arith.constant 0 : i32
        %dma_start3A_353 = tpu.memref_slice %arg2[%dma_start3A_352, %multiple_of3A_351] : memref<32x1000000xf32, #tpu.memory_space<hbm>> -> memref<32x128xf32, #tpu.memory_space<hbm>>
        %dma_start3A_354 = arith.constant 0 : i32
        %dma_start3A_355 = tpu.memref_slice %arg2[%dma_start3A_354, %multiple_of3A_351] : memref<32x1000000xf32, #tpu.memory_space<hbm>> -> memref<32x128xf32, #tpu.memory_space<hbm>>
        tpu.enqueue_dma source(%dma_start3A_355 : memref<32x128xf32, #tpu.memory_space<hbm>>) target(%arg9 : memref<32x128xf32, #tpu.memory_space<vmem>>) target_semaphore(%arg17 : memref<!tpu.dma_semaphore, #tpu.memory_space<semaphore_mem>>)
      } else {
      }
      %sub3A_155 = arith.constant 1 : i32
      %sub3A_156 = arith.subi %scan3A_100, %sub3A_155 : i32
      %mul3A_157 = arith.constant 8 : i32
      %mul3A_158 = arith.muli %sub3A_156, %mul3A_157 : i32
      %add3A_159 = arith.constant 2 : i32
      %add3A_160 = arith.addi %mul3A_158, %add3A_159 : i32
      %dma_wait3A_161 = arith.constant 0 : i32
      %dma_wait3A_162 = arith.constant 0 : i32
      %dma_wait3A_163 = tpu.memref_slice %arg2[%dma_wait3A_161, %dma_wait3A_162] : memref<32x1000000xf32, #tpu.memory_space<hbm>> -> memref<32x128xf32, #tpu.memory_space<hbm>>
      %dma_wait3A_164 = arith.constant 0 : i32
      %dma_wait3A_165 = arith.constant 0 : i32
      %dma_wait3A_166 = tpu.memref_slice %arg2[%dma_wait3A_164, %dma_wait3A_165] : memref<32x1000000xf32, #tpu.memory_space<hbm>> -> memref<32x128xf32, #tpu.memory_space<hbm>>
      tpu.wait_dma2 semaphore(%arg18 : memref<!tpu.dma_semaphore, #tpu.memory_space<semaphore_mem>>) src(%dma_wait3A_166 : memref<32x128xf32, #tpu.memory_space<hbm>>) dst(%arg10 : memref<32x128xf32, #tpu.memory_space<vmem>>)
      %get3A_167 = arith.index_cast %add3A_160 : i32 to index
      %get3A_168 = memref.load %arg6[%get3A_167] : memref<512xi32, #tpu.memory_space<smem>>
      %and3A_169 = arith.constant 127 : i32
      %and3A_170 = arith.andi %get3A_168, %and3A_169 : i32
      %broadcast_in_dim3A_171 = vector.broadcast %and3A_170 : i32 to vector<16xi32>
      %broadcast_in_dim3A_172 = vector.broadcast %add3A_160 : i32 to vector<16xi32>
      %gather3A_173 = tpu.vector_load_idx %arg10[%iota3A, %broadcast_in_dim3A_171] : memref<32x128xf32, #tpu.memory_space<vmem>>[vector<16xi32>, vector<16xi32>], vector<16xf32>,
      %add3A_174 = arith.constant 16 : i32
      %add3A_175 = vector.broadcast %add3A_174 : i32 to vector<16xi32>
      %add3A_176 = arith.addi %iota3A, %add3A_175 : vector<16xi32>
      %gather3A_177 = tpu.vector_load_idx %arg10[%add3A_176, %broadcast_in_dim3A_171] : memref<32x128xf32, #tpu.memory_space<vmem>>[vector<16xi32>, vector<16xi32>], vector<16xf32>,
      tpu.vector_store_idx %arg7[%iota3A, %broadcast_in_dim3A_172], %gather3A_173 : memref<32x512xf32, #tpu.memory_space<vmem>>[vector<16xi32>, vector<16xi32>], vector<16xf32>,
      %add3A_178 = arith.constant 16 : i32
      %add3A_179 = vector.broadcast %add3A_178 : i32 to vector<16xi32>
      %add3A_180 = arith.addi %iota3A, %add3A_179 : vector<16xi32>
      tpu.vector_store_idx %arg7[%add3A_180, %broadcast_in_dim3A_172], %gather3A_177 : memref<32x512xf32, #tpu.memory_space<vmem>>[vector<16xi32>, vector<16xi32>], vector<16xf32>,
      %lt3A_181 = arith.constant 64 : i32
      %lt3A_182 = arith.cmpi slt, %scan3A_100, %lt3A_181 : i32
      %convert_element_type3A_183 = arith.extui %lt3A_182 : i1 to i32
      %cond3A_184 = arith.constant 0 : i32
      %cond3A_185 = arith.cmpi ne, %convert_element_type3A_183, %cond3A_184 : i32
      scf.if %cond3A_185 {
        %mul3A_341 = arith.constant 8 : i32
        %mul3A_342 = arith.muli %scan3A_100, %mul3A_341 : i32
        %add3A_343 = arith.constant 2 : i32
        %add3A_344 = arith.addi %mul3A_342, %add3A_343 : i32
        %get3A_345 = arith.index_cast %add3A_344 : i32 to index
        %get3A_346 = memref.load %arg6[%get3A_345] : memref<512xi32, #tpu.memory_space<smem>>
        %shift_right_arithmetic3A_347 = arith.constant 7 : i32
        %shift_right_arithmetic3A_348 = arith.shrsi %get3A_346, %shift_right_arithmetic3A_347 : i32
        %mul3A_349 = arith.constant 128 : i32
        %mul3A_350 = arith.muli %shift_right_arithmetic3A_348, %mul3A_349 : i32
        %multiple_of3A_351 = tpu.assume_multiple %mul3A_350, 128 : i32
        %dma_start3A_352 = arith.constant 0 : i32
        %dma_start3A_353 = tpu.memref_slice %arg2[%dma_start3A_352, %multiple_of3A_351] : memref<32x1000000xf32, #tpu.memory_space<hbm>> -> memref<32x128xf32, #tpu.memory_space<hbm>>
        %dma_start3A_354 = arith.constant 0 : i32
        %dma_start3A_355 = tpu.memref_slice %arg2[%dma_start3A_354, %multiple_of3A_351] : memref<32x1000000xf32, #tpu.memory_space<hbm>> -> memref<32x128xf32, #tpu.memory_space<hbm>>
        tpu.enqueue_dma source(%dma_start3A_355 : memref<32x128xf32, #tpu.memory_space<hbm>>) target(%arg10 : memref<32x128xf32, #tpu.memory_space<vmem>>) target_semaphore(%arg18 : memref<!tpu.dma_semaphore, #tpu.memory_space<semaphore_mem>>)
      } else {
      }
      %sub3A_186 = arith.constant 1 : i32
      %sub3A_187 = arith.subi %scan3A_100, %sub3A_186 : i32
      %mul3A_188 = arith.constant 8 : i32
      %mul3A_189 = arith.muli %sub3A_187, %mul3A_188 : i32
      %add3A_190 = arith.constant 3 : i32
      %add3A_191 = arith.addi %mul3A_189, %add3A_190 : i32
      %dma_wait3A_192 = arith.constant 0 : i32
      %dma_wait3A_193 = arith.constant 0 : i32
      %dma_wait3A_194 = tpu.memref_slice %arg2[%dma_wait3A_192, %dma_wait3A_193] : memref<32x1000000xf32, #tpu.memory_space<hbm>> -> memref<32x128xf32, #tpu.memory_space<hbm>>
      %dma_wait3A_195 = arith.constant 0 : i32
      %dma_wait3A_196 = arith.constant 0 : i32
      %dma_wait3A_197 = tpu.memref_slice %arg2[%dma_wait3A_195, %dma_wait3A_196] : memref<32x1000000xf32, #tpu.memory_space<hbm>> -> memref<32x128xf32, #tpu.memory_space<hbm>>
      tpu.wait_dma2 semaphore(%arg19 : memref<!tpu.dma_semaphore, #tpu.memory_space<semaphore_mem>>) src(%dma_wait3A_197 : memref<32x128xf32, #tpu.memory_space<hbm>>) dst(%arg11 : memref<32x128xf32, #tpu.memory_space<vmem>>)
      %get3A_198 = arith.index_cast %add3A_191 : i32 to index
      %get3A_199 = memref.load %arg6[%get3A_198] : memref<512xi32, #tpu.memory_space<smem>>
      %and3A_200 = arith.constant 127 : i32
      %and3A_201 = arith.andi %get3A_199, %and3A_200 : i32
      %broadcast_in_dim3A_202 = vector.broadcast %and3A_201 : i32 to vector<16xi32>
      %broadcast_in_dim3A_203 = vector.broadcast %add3A_191 : i32 to vector<16xi32>
      %gather3A_204 = tpu.vector_load_idx %arg11[%iota3A, %broadcast_in_dim3A_202] : memref<32x128xf32, #tpu.memory_space<vmem>>[vector<16xi32>, vector<16xi32>], vector<16xf32>,
      %add3A_205 = arith.constant 16 : i32
      %add3A_206 = vector.broadcast %add3A_205 : i32 to vector<16xi32>
      %add3A_207 = arith.addi %iota3A, %add3A_206 : vector<16xi32>
      %gather3A_208 = tpu.vector_load_idx %arg11[%add3A_207, %broadcast_in_dim3A_202] : memref<32x128xf32, #tpu.memory_space<vmem>>[vector<16xi32>, vector<16xi32>], vector<16xf32>,
      tpu.vector_store_idx %arg7[%iota3A, %broadcast_in_dim3A_203], %gather3A_204 : memref<32x512xf32, #tpu.memory_space<vmem>>[vector<16xi32>, vector<16xi32>], vector<16xf32>,
      %add3A_209 = arith.constant 16 : i32
      %add3A_210 = vector.broadcast %add3A_209 : i32 to vector<16xi32>
      %add3A_211 = arith.addi %iota3A, %add3A_210 : vector<16xi32>
      tpu.vector_store_idx %arg7[%add3A_211, %broadcast_in_dim3A_203], %gather3A_208 : memref<32x512xf32, #tpu.memory_space<vmem>>[vector<16xi32>, vector<16xi32>], vector<16xf32>,
      %lt3A_212 = arith.constant 64 : i32
      %lt3A_213 = arith.cmpi slt, %scan3A_100, %lt3A_212 : i32
      %convert_element_type3A_214 = arith.extui %lt3A_213 : i1 to i32
      %cond3A_215 = arith.constant 0 : i32
      %cond3A_216 = arith.cmpi ne, %convert_element_type3A_214, %cond3A_215 : i32
      scf.if %cond3A_216 {
        %mul3A_341 = arith.constant 8 : i32
        %mul3A_342 = arith.muli %scan3A_100, %mul3A_341 : i32
        %add3A_343 = arith.constant 3 : i32
        %add3A_344 = arith.addi %mul3A_342, %add3A_343 : i32
        %get3A_345 = arith.index_cast %add3A_344 : i32 to index
        %get3A_346 = memref.load %arg6[%get3A_345] : memref<512xi32, #tpu.memory_space<smem>>
        %shift_right_arithmetic3A_347 = arith.constant 7 : i32
        %shift_right_arithmetic3A_348 = arith.shrsi %get3A_346, %shift_right_arithmetic3A_347 : i32
        %mul3A_349 = arith.constant 128 : i32
        %mul3A_350 = arith.muli %shift_right_arithmetic3A_348, %mul3A_349 : i32
        %multiple_of3A_351 = tpu.assume_multiple %mul3A_350, 128 : i32
        %dma_start3A_352 = arith.constant 0 : i32
        %dma_start3A_353 = tpu.memref_slice %arg2[%dma_start3A_352, %multiple_of3A_351] : memref<32x1000000xf32, #tpu.memory_space<hbm>> -> memref<32x128xf32, #tpu.memory_space<hbm>>
        %dma_start3A_354 = arith.constant 0 : i32
        %dma_start3A_355 = tpu.memref_slice %arg2[%dma_start3A_354, %multiple_of3A_351] : memref<32x1000000xf32, #tpu.memory_space<hbm>> -> memref<32x128xf32, #tpu.memory_space<hbm>>
        tpu.enqueue_dma source(%dma_start3A_355 : memref<32x128xf32, #tpu.memory_space<hbm>>) target(%arg11 : memref<32x128xf32, #tpu.memory_space<vmem>>) target_semaphore(%arg19 : memref<!tpu.dma_semaphore, #tpu.memory_space<semaphore_mem>>)
      } else {
      }
      %sub3A_217 = arith.constant 1 : i32
      %sub3A_218 = arith.subi %scan3A_100, %sub3A_217 : i32
      %mul3A_219 = arith.constant 8 : i32
      %mul3A_220 = arith.muli %sub3A_218, %mul3A_219 : i32
      %add3A_221 = arith.constant 4 : i32
      %add3A_222 = arith.addi %mul3A_220, %add3A_221 : i32
      %dma_wait3A_223 = arith.constant 0 : i32
      %dma_wait3A_224 = arith.constant 0 : i32
      %dma_wait3A_225 = tpu.memref_slice %arg2[%dma_wait3A_223, %dma_wait3A_224] : memref<32x1000000xf32, #tpu.memory_space<hbm>> -> memref<32x128xf32, #tpu.memory_space<hbm>>
      %dma_wait3A_226 = arith.constant 0 : i32
      %dma_wait3A_227 = arith.constant 0 : i32
      %dma_wait3A_228 = tpu.memref_slice %arg2[%dma_wait3A_226, %dma_wait3A_227] : memref<32x1000000xf32, #tpu.memory_space<hbm>> -> memref<32x128xf32, #tpu.memory_space<hbm>>
      tpu.wait_dma2 semaphore(%arg20 : memref<!tpu.dma_semaphore, #tpu.memory_space<semaphore_mem>>) src(%dma_wait3A_228 : memref<32x128xf32, #tpu.memory_space<hbm>>) dst(%arg12 : memref<32x128xf32, #tpu.memory_space<vmem>>)
      %get3A_229 = arith.index_cast %add3A_222 : i32 to index
      %get3A_230 = memref.load %arg6[%get3A_229] : memref<512xi32, #tpu.memory_space<smem>>
      %and3A_231 = arith.constant 127 : i32
      %and3A_232 = arith.andi %get3A_230, %and3A_231 : i32
      %broadcast_in_dim3A_233 = vector.broadcast %and3A_232 : i32 to vector<16xi32>
      %broadcast_in_dim3A_234 = vector.broadcast %add3A_222 : i32 to vector<16xi32>
      %gather3A_235 = tpu.vector_load_idx %arg12[%iota3A, %broadcast_in_dim3A_233] : memref<32x128xf32, #tpu.memory_space<vmem>>[vector<16xi32>, vector<16xi32>], vector<16xf32>,
      %add3A_236 = arith.constant 16 : i32
      %add3A_237 = vector.broadcast %add3A_236 : i32 to vector<16xi32>
      %add3A_238 = arith.addi %iota3A, %add3A_237 : vector<16xi32>
      %gather3A_239 = tpu.vector_load_idx %arg12[%add3A_238, %broadcast_in_dim3A_233] : memref<32x128xf32, #tpu.memory_space<vmem>>[vector<16xi32>, vector<16xi32>], vector<16xf32>,
      tpu.vector_store_idx %arg7[%iota3A, %broadcast_in_dim3A_234], %gather3A_235 : memref<32x512xf32, #tpu.memory_space<vmem>>[vector<16xi32>, vector<16xi32>], vector<16xf32>,
      %add3A_240 = arith.constant 16 : i32
      %add3A_241 = vector.broadcast %add3A_240 : i32 to vector<16xi32>
      %add3A_242 = arith.addi %iota3A, %add3A_241 : vector<16xi32>
      tpu.vector_store_idx %arg7[%add3A_242, %broadcast_in_dim3A_234], %gather3A_239 : memref<32x512xf32, #tpu.memory_space<vmem>>[vector<16xi32>, vector<16xi32>], vector<16xf32>,
      %lt3A_243 = arith.constant 64 : i32
      %lt3A_244 = arith.cmpi slt, %scan3A_100, %lt3A_243 : i32
      %convert_element_type3A_245 = arith.extui %lt3A_244 : i1 to i32
      %cond3A_246 = arith.constant 0 : i32
      %cond3A_247 = arith.cmpi ne, %convert_element_type3A_245, %cond3A_246 : i32
      scf.if %cond3A_247 {
        %mul3A_341 = arith.constant 8 : i32
        %mul3A_342 = arith.muli %scan3A_100, %mul3A_341 : i32
        %add3A_343 = arith.constant 4 : i32
        %add3A_344 = arith.addi %mul3A_342, %add3A_343 : i32
        %get3A_345 = arith.index_cast %add3A_344 : i32 to index
        %get3A_346 = memref.load %arg6[%get3A_345] : memref<512xi32, #tpu.memory_space<smem>>
        %shift_right_arithmetic3A_347 = arith.constant 7 : i32
        %shift_right_arithmetic3A_348 = arith.shrsi %get3A_346, %shift_right_arithmetic3A_347 : i32
        %mul3A_349 = arith.constant 128 : i32
        %mul3A_350 = arith.muli %shift_right_arithmetic3A_348, %mul3A_349 : i32
        %multiple_of3A_351 = tpu.assume_multiple %mul3A_350, 128 : i32
        %dma_start3A_352 = arith.constant 0 : i32
        %dma_start3A_353 = tpu.memref_slice %arg2[%dma_start3A_352, %multiple_of3A_351] : memref<32x1000000xf32, #tpu.memory_space<hbm>> -> memref<32x128xf32, #tpu.memory_space<hbm>>
        %dma_start3A_354 = arith.constant 0 : i32
        %dma_start3A_355 = tpu.memref_slice %arg2[%dma_start3A_354, %multiple_of3A_351] : memref<32x1000000xf32, #tpu.memory_space<hbm>> -> memref<32x128xf32, #tpu.memory_space<hbm>>
        tpu.enqueue_dma source(%dma_start3A_355 : memref<32x128xf32, #tpu.memory_space<hbm>>) target(%arg12 : memref<32x128xf32, #tpu.memory_space<vmem>>) target_semaphore(%arg20 : memref<!tpu.dma_semaphore, #tpu.memory_space<semaphore_mem>>)
      } else {
      }
      %sub3A_248 = arith.constant 1 : i32
      %sub3A_249 = arith.subi %scan3A_100, %sub3A_248 : i32
      %mul3A_250 = arith.constant 8 : i32
      %mul3A_251 = arith.muli %sub3A_249, %mul3A_250 : i32
      %add3A_252 = arith.constant 5 : i32
      %add3A_253 = arith.addi %mul3A_251, %add3A_252 : i32
      %dma_wait3A_254 = arith.constant 0 : i32
      %dma_wait3A_255 = arith.constant 0 : i32
      %dma_wait3A_256 = tpu.memref_slice %arg2[%dma_wait3A_254, %dma_wait3A_255] : memref<32x1000000xf32, #tpu.memory_space<hbm>> -> memref<32x128xf32, #tpu.memory_space<hbm>>
      %dma_wait3A_257 = arith.constant 0 : i32
      %dma_wait3A_258 = arith.constant 0 : i32
      %dma_wait3A_259 = tpu.memref_slice %arg2[%dma_wait3A_257, %dma_wait3A_258] : memref<32x1000000xf32, #tpu.memory_space<hbm>> -> memref<32x128xf32, #tpu.memory_space<hbm>>
      tpu.wait_dma2 semaphore(%arg21 : memref<!tpu.dma_semaphore, #tpu.memory_space<semaphore_mem>>) src(%dma_wait3A_259 : memref<32x128xf32, #tpu.memory_space<hbm>>) dst(%arg13 : memref<32x128xf32, #tpu.memory_space<vmem>>)
      %get3A_260 = arith.index_cast %add3A_253 : i32 to index
      %get3A_261 = memref.load %arg6[%get3A_260] : memref<512xi32, #tpu.memory_space<smem>>
      %and3A_262 = arith.constant 127 : i32
      %and3A_263 = arith.andi %get3A_261, %and3A_262 : i32
      %broadcast_in_dim3A_264 = vector.broadcast %and3A_263 : i32 to vector<16xi32>
      %broadcast_in_dim3A_265 = vector.broadcast %add3A_253 : i32 to vector<16xi32>
      %gather3A_266 = tpu.vector_load_idx %arg13[%iota3A, %broadcast_in_dim3A_264] : memref<32x128xf32, #tpu.memory_space<vmem>>[vector<16xi32>, vector<16xi32>], vector<16xf32>,
      %add3A_267 = arith.constant 16 : i32
      %add3A_268 = vector.broadcast %add3A_267 : i32 to vector<16xi32>
      %add3A_269 = arith.addi %iota3A, %add3A_268 : vector<16xi32>
      %gather3A_270 = tpu.vector_load_idx %arg13[%add3A_269, %broadcast_in_dim3A_264] : memref<32x128xf32, #tpu.memory_space<vmem>>[vector<16xi32>, vector<16xi32>], vector<16xf32>,
      tpu.vector_store_idx %arg7[%iota3A, %broadcast_in_dim3A_265], %gather3A_266 : memref<32x512xf32, #tpu.memory_space<vmem>>[vector<16xi32>, vector<16xi32>], vector<16xf32>,
      %add3A_271 = arith.constant 16 : i32
      %add3A_272 = vector.broadcast %add3A_271 : i32 to vector<16xi32>
      %add3A_273 = arith.addi %iota3A, %add3A_272 : vector<16xi32>
      tpu.vector_store_idx %arg7[%add3A_273, %broadcast_in_dim3A_265], %gather3A_270 : memref<32x512xf32, #tpu.memory_space<vmem>>[vector<16xi32>, vector<16xi32>], vector<16xf32>,
      %lt3A_274 = arith.constant 64 : i32
      %lt3A_275 = arith.cmpi slt, %scan3A_100, %lt3A_274 : i32
      %convert_element_type3A_276 = arith.extui %lt3A_275 : i1 to i32
      %cond3A_277 = arith.constant 0 : i32
      %cond3A_278 = arith.cmpi ne, %convert_element_type3A_276, %cond3A_277 : i32
      scf.if %cond3A_278 {
        %mul3A_341 = arith.constant 8 : i32
        %mul3A_342 = arith.muli %scan3A_100, %mul3A_341 : i32
        %add3A_343 = arith.constant 5 : i32
        %add3A_344 = arith.addi %mul3A_342, %add3A_343 : i32
        %get3A_345 = arith.index_cast %add3A_344 : i32 to index
        %get3A_346 = memref.load %arg6[%get3A_345] : memref<512xi32, #tpu.memory_space<smem>>
        %shift_right_arithmetic3A_347 = arith.constant 7 : i32
        %shift_right_arithmetic3A_348 = arith.shrsi %get3A_346, %shift_right_arithmetic3A_347 : i32
        %mul3A_349 = arith.constant 128 : i32
        %mul3A_350 = arith.muli %shift_right_arithmetic3A_348, %mul3A_349 : i32
        %multiple_of3A_351 = tpu.assume_multiple %mul3A_350, 128 : i32
        %dma_start3A_352 = arith.constant 0 : i32
        %dma_start3A_353 = tpu.memref_slice %arg2[%dma_start3A_352, %multiple_of3A_351] : memref<32x1000000xf32, #tpu.memory_space<hbm>> -> memref<32x128xf32, #tpu.memory_space<hbm>>
        %dma_start3A_354 = arith.constant 0 : i32
        %dma_start3A_355 = tpu.memref_slice %arg2[%dma_start3A_354, %multiple_of3A_351] : memref<32x1000000xf32, #tpu.memory_space<hbm>> -> memref<32x128xf32, #tpu.memory_space<hbm>>
        tpu.enqueue_dma source(%dma_start3A_355 : memref<32x128xf32, #tpu.memory_space<hbm>>) target(%arg13 : memref<32x128xf32, #tpu.memory_space<vmem>>) target_semaphore(%arg21 : memref<!tpu.dma_semaphore, #tpu.memory_space<semaphore_mem>>)
      } else {
      }
      %sub3A_279 = arith.constant 1 : i32
      %sub3A_280 = arith.subi %scan3A_100, %sub3A_279 : i32
      %mul3A_281 = arith.constant 8 : i32
      %mul3A_282 = arith.muli %sub3A_280, %mul3A_281 : i32
      %add3A_283 = arith.constant 6 : i32
      %add3A_284 = arith.addi %mul3A_282, %add3A_283 : i32
      %dma_wait3A_285 = arith.constant 0 : i32
      %dma_wait3A_286 = arith.constant 0 : i32
      %dma_wait3A_287 = tpu.memref_slice %arg2[%dma_wait3A_285, %dma_wait3A_286] : memref<32x1000000xf32, #tpu.memory_space<hbm>> -> memref<32x128xf32, #tpu.memory_space<hbm>>
      %dma_wait3A_288 = arith.constant 0 : i32
      %dma_wait3A_289 = arith.constant 0 : i32
      %dma_wait3A_290 = tpu.memref_slice %arg2[%dma_wait3A_288, %dma_wait3A_289] : memref<32x1000000xf32, #tpu.memory_space<hbm>> -> memref<32x128xf32, #tpu.memory_space<hbm>>
      tpu.wait_dma2 semaphore(%arg22 : memref<!tpu.dma_semaphore, #tpu.memory_space<semaphore_mem>>) src(%dma_wait3A_290 : memref<32x128xf32, #tpu.memory_space<hbm>>) dst(%arg14 : memref<32x128xf32, #tpu.memory_space<vmem>>)
      %get3A_291 = arith.index_cast %add3A_284 : i32 to index
      %get3A_292 = memref.load %arg6[%get3A_291] : memref<512xi32, #tpu.memory_space<smem>>
      %and3A_293 = arith.constant 127 : i32
      %and3A_294 = arith.andi %get3A_292, %and3A_293 : i32
      %broadcast_in_dim3A_295 = vector.broadcast %and3A_294 : i32 to vector<16xi32>
      %broadcast_in_dim3A_296 = vector.broadcast %add3A_284 : i32 to vector<16xi32>
      %gather3A_297 = tpu.vector_load_idx %arg14[%iota3A, %broadcast_in_dim3A_295] : memref<32x128xf32, #tpu.memory_space<vmem>>[vector<16xi32>, vector<16xi32>], vector<16xf32>,
      %add3A_298 = arith.constant 16 : i32
      %add3A_299 = vector.broadcast %add3A_298 : i32 to vector<16xi32>
      %add3A_300 = arith.addi %iota3A, %add3A_299 : vector<16xi32>
      %gather3A_301 = tpu.vector_load_idx %arg14[%add3A_300, %broadcast_in_dim3A_295] : memref<32x128xf32, #tpu.memory_space<vmem>>[vector<16xi32>, vector<16xi32>], vector<16xf32>,
      tpu.vector_store_idx %arg7[%iota3A, %broadcast_in_dim3A_296], %gather3A_297 : memref<32x512xf32, #tpu.memory_space<vmem>>[vector<16xi32>, vector<16xi32>], vector<16xf32>,
      %add3A_302 = arith.constant 16 : i32
      %add3A_303 = vector.broadcast %add3A_302 : i32 to vector<16xi32>
      %add3A_304 = arith.addi %iota3A, %add3A_303 : vector<16xi32>
      tpu.vector_store_idx %arg7[%add3A_304, %broadcast_in_dim3A_296], %gather3A_301 : memref<32x512xf32, #tpu.memory_space<vmem>>[vector<16xi32>, vector<16xi32>], vector<16xf32>,
      %lt3A_305 = arith.constant 64 : i32
      %lt3A_306 = arith.cmpi slt, %scan3A_100, %lt3A_305 : i32
      %convert_element_type3A_307 = arith.extui %lt3A_306 : i1 to i32
      %cond3A_308 = arith.constant 0 : i32
      %cond3A_309 = arith.cmpi ne, %convert_element_type3A_307, %cond3A_308 : i32
      scf.if %cond3A_309 {
        %mul3A_341 = arith.constant 8 : i32
        %mul3A_342 = arith.muli %scan3A_100, %mul3A_341 : i32
        %add3A_343 = arith.constant 6 : i32
        %add3A_344 = arith.addi %mul3A_342, %add3A_343 : i32
        %get3A_345 = arith.index_cast %add3A_344 : i32 to index
        %get3A_346 = memref.load %arg6[%get3A_345] : memref<512xi32, #tpu.memory_space<smem>>
        %shift_right_arithmetic3A_347 = arith.constant 7 : i32
        %shift_right_arithmetic3A_348 = arith.shrsi %get3A_346, %shift_right_arithmetic3A_347 : i32
        %mul3A_349 = arith.constant 128 : i32
        %mul3A_350 = arith.muli %shift_right_arithmetic3A_348, %mul3A_349 : i32
        %multiple_of3A_351 = tpu.assume_multiple %mul3A_350, 128 : i32
        %dma_start3A_352 = arith.constant 0 : i32
        %dma_start3A_353 = tpu.memref_slice %arg2[%dma_start3A_352, %multiple_of3A_351] : memref<32x1000000xf32, #tpu.memory_space<hbm>> -> memref<32x128xf32, #tpu.memory_space<hbm>>
        %dma_start3A_354 = arith.constant 0 : i32
        %dma_start3A_355 = tpu.memref_slice %arg2[%dma_start3A_354, %multiple_of3A_351] : memref<32x1000000xf32, #tpu.memory_space<hbm>> -> memref<32x128xf32, #tpu.memory_space<hbm>>
        tpu.enqueue_dma source(%dma_start3A_355 : memref<32x128xf32, #tpu.memory_space<hbm>>) target(%arg14 : memref<32x128xf32, #tpu.memory_space<vmem>>) target_semaphore(%arg22 : memref<!tpu.dma_semaphore, #tpu.memory_space<semaphore_mem>>)
      } else {
      }
      %sub3A_310 = arith.constant 1 : i32
      %sub3A_311 = arith.subi %scan3A_100, %sub3A_310 : i32
      %mul3A_312 = arith.constant 8 : i32
      %mul3A_313 = arith.muli %sub3A_311, %mul3A_312 : i32
      %add3A_314 = arith.constant 7 : i32
      %add3A_315 = arith.addi %mul3A_313, %add3A_314 : i32
      %dma_wait3A_316 = arith.constant 0 : i32
      %dma_wait3A_317 = arith.constant 0 : i32
      %dma_wait3A_318 = tpu.memref_slice %arg2[%dma_wait3A_316, %dma_wait3A_317] : memref<32x1000000xf32, #tpu.memory_space<hbm>> -> memref<32x128xf32, #tpu.memory_space<hbm>>
      %dma_wait3A_319 = arith.constant 0 : i32
      %dma_wait3A_320 = arith.constant 0 : i32
      %dma_wait3A_321 = tpu.memref_slice %arg2[%dma_wait3A_319, %dma_wait3A_320] : memref<32x1000000xf32, #tpu.memory_space<hbm>> -> memref<32x128xf32, #tpu.memory_space<hbm>>
      tpu.wait_dma2 semaphore(%arg23 : memref<!tpu.dma_semaphore, #tpu.memory_space<semaphore_mem>>) src(%dma_wait3A_321 : memref<32x128xf32, #tpu.memory_space<hbm>>) dst(%arg15 : memref<32x128xf32, #tpu.memory_space<vmem>>)
      %get3A_322 = arith.index_cast %add3A_315 : i32 to index
      %get3A_323 = memref.load %arg6[%get3A_322] : memref<512xi32, #tpu.memory_space<smem>>
      %and3A_324 = arith.constant 127 : i32
      %and3A_325 = arith.andi %get3A_323, %and3A_324 : i32
      %broadcast_in_dim3A_326 = vector.broadcast %and3A_325 : i32 to vector<16xi32>
      %broadcast_in_dim3A_327 = vector.broadcast %add3A_315 : i32 to vector<16xi32>
      %gather3A_328 = tpu.vector_load_idx %arg15[%iota3A, %broadcast_in_dim3A_326] : memref<32x128xf32, #tpu.memory_space<vmem>>[vector<16xi32>, vector<16xi32>], vector<16xf32>,
      %add3A_329 = arith.constant 16 : i32
      %add3A_330 = vector.broadcast %add3A_329 : i32 to vector<16xi32>
      %add3A_331 = arith.addi %iota3A, %add3A_330 : vector<16xi32>
      %gather3A_332 = tpu.vector_load_idx %arg15[%add3A_331, %broadcast_in_dim3A_326] : memref<32x128xf32, #tpu.memory_space<vmem>>[vector<16xi32>, vector<16xi32>], vector<16xf32>,
      tpu.vector_store_idx %arg7[%iota3A, %broadcast_in_dim3A_327], %gather3A_328 : memref<32x512xf32, #tpu.memory_space<vmem>>[vector<16xi32>, vector<16xi32>], vector<16xf32>,
      %add3A_333 = arith.constant 16 : i32
      %add3A_334 = vector.broadcast %add3A_333 : i32 to vector<16xi32>
      %add3A_335 = arith.addi %iota3A, %add3A_334 : vector<16xi32>
      tpu.vector_store_idx %arg7[%add3A_335, %broadcast_in_dim3A_327], %gather3A_332 : memref<32x512xf32, #tpu.memory_space<vmem>>[vector<16xi32>, vector<16xi32>], vector<16xf32>,
      %lt3A_336 = arith.constant 64 : i32
      %lt3A_337 = arith.cmpi slt, %scan3A_100, %lt3A_336 : i32
      %convert_element_type3A_338 = arith.extui %lt3A_337 : i1 to i32
      %cond3A_339 = arith.constant 0 : i32
      %cond3A_340 = arith.cmpi ne, %convert_element_type3A_338, %cond3A_339 : i32
      scf.if %cond3A_340 {
        %mul3A_341 = arith.constant 8 : i32
        %mul3A_342 = arith.muli %scan3A_100, %mul3A_341 : i32
        %add3A_343 = arith.constant 7 : i32
        %add3A_344 = arith.addi %mul3A_342, %add3A_343 : i32
        %get3A_345 = arith.index_cast %add3A_344 : i32 to index
        %get3A_346 = memref.load %arg6[%get3A_345] : memref<512xi32, #tpu.memory_space<smem>>
        %shift_right_arithmetic3A_347 = arith.constant 7 : i32
        %shift_right_arithmetic3A_348 = arith.shrsi %get3A_346, %shift_right_arithmetic3A_347 : i32
        %mul3A_349 = arith.constant 128 : i32
        %mul3A_350 = arith.muli %shift_right_arithmetic3A_348, %mul3A_349 : i32
        %multiple_of3A_351 = tpu.assume_multiple %mul3A_350, 128 : i32
        %dma_start3A_352 = arith.constant 0 : i32
        %dma_start3A_353 = tpu.memref_slice %arg2[%dma_start3A_352, %multiple_of3A_351] : memref<32x1000000xf32, #tpu.memory_space<hbm>> -> memref<32x128xf32, #tpu.memory_space<hbm>>
        %dma_start3A_354 = arith.constant 0 : i32
        %dma_start3A_355 = tpu.memref_slice %arg2[%dma_start3A_354, %multiple_of3A_351] : memref<32x1000000xf32, #tpu.memory_space<hbm>> -> memref<32x128xf32, #tpu.memory_space<hbm>>
        tpu.enqueue_dma source(%dma_start3A_355 : memref<32x128xf32, #tpu.memory_space<hbm>>) target(%arg15 : memref<32x128xf32, #tpu.memory_space<vmem>>) target_semaphore(%arg23 : memref<!tpu.dma_semaphore, #tpu.memory_space<semaphore_mem>>)
      } else {
      }
    }
    %scan3A_99 = arith.constant 64 : i32
    "tpu.region"() ({
      %run_scoped3A = tpu.sem_alloc : memref<!tpu.dma_semaphore, #tpu.memory_space<semaphore_mem>>
      %dma_start3A_100 = arith.constant 0 : i32
      %dma_start3A_101 = tpu.memref_slice %arg4[%dma_start3A_100, %mul3A_2] : memref<32x16384xf32, #tpu.memory_space<hbm>> -> memref<32x512xf32, #tpu.memory_space<hbm>>
      %dma_start3A_102 = arith.constant 0 : i32
      %dma_start3A_103 = tpu.memref_slice %arg4[%dma_start3A_102, %mul3A_2] : memref<32x16384xf32, #tpu.memory_space<hbm>> -> memref<32x512xf32, #tpu.memory_space<hbm>>
      tpu.enqueue_dma source(%arg7 : memref<32x512xf32, #tpu.memory_space<vmem>>) target(%dma_start3A_103 : memref<32x512xf32, #tpu.memory_space<hbm>>) target_semaphore(%run_scoped3A : memref<!tpu.dma_semaphore, #tpu.memory_space<semaphore_mem>>)
      %dma_wait3A = arith.constant 0 : i32
      %dma_wait3A_104 = tpu.memref_slice %arg4[%dma_wait3A, %mul3A_2] : memref<32x16384xf32, #tpu.memory_space<hbm>> -> memref<32x512xf32, #tpu.memory_space<hbm>>
      %dma_wait3A_105 = arith.constant 0 : i32
      %dma_wait3A_106 = tpu.memref_slice %arg4[%dma_wait3A_105, %mul3A_2] : memref<32x16384xf32, #tpu.memory_space<hbm>> -> memref<32x512xf32, #tpu.memory_space<hbm>>
      tpu.wait_dma2 semaphore(%run_scoped3A : memref<!tpu.dma_semaphore, #tpu.memory_space<semaphore_mem>>) src(%arg7 : memref<32x512xf32, #tpu.memory_space<vmem>>) dst(%dma_wait3A_106 : memref<32x512xf32, #tpu.memory_space<hbm>>)
      tpu.yield
    }) : () -> ()
    return
  }
}

</mosaic_0001>

<sc_bundles>
// kernel: kernel.3.cloned.1.call-start
scs
__scs_entry_jumppad:
0x0: {  	(pc) =	sbr.rel $0x88, $3  }
0x1: {  	(tag) =	ssettag $0x0;
	lr =	simm.s32 $0x1  }
0x2: {  	[smem:$0x3F9F] =	sst lr;
	_ =	strace $0xD0000000  }
0x3: {  	_ = 	snop  }
0x4: {  	_ = 	snop  }
0x5: {  	_ = 	snop  }
0x6: {  	_ = 	snop  }
0x7: {  	_ = 	snop  }
__scs_overlays_trampoline_lowered:
0x8: {  	[smem:$0x3FAE] =	sst s0  }
0x9: {  	[smem:$0x3FAF] =	sst s1  }
0xa: {  	[smem:$0x3FB0] =	sst s2  }
0xb: {  	[smem:$0x3FB1] =	sst s3  }
0xc: {  	[smem:$0x3FB2] =	sst s4  }
0xd: {  	[smem:$0x3FB3] =	sst s5  }
0xe: {  	[smem:$0x3FB4] =	sst s6  }
0xf: {  	[smem:$0x3FB5] =	sst s7  }
0x10: {  	[smem:$0x3FB6] =	sst s8  }
0x11: {  	[smem:$0x3FB7] =	sst s9;
	s0 =	simm.s32 @!p0 $0x0  }
0x12: {  	s1 =	sld [smem:$0x3F9D];
	s0 =	simm.s32 @p0 $0x1  }
0x13: {  	[smem:$0x3FB8] =	sst s0;
	s0 =	simm.s32 @!p1 $0x0  }
0x14: {  	s2 =	sld [smem:$0x3F9C];
	s0 =	simm.s32 @p1 $0x1  }
0x15: {  	[smem:$0x3FB9] =	sst s0;
	s0 =	simm.s32 @!p2 $0x0  }
0x16: {  	s3 =	sld [smem:$0x3FDB];
	s0 =	simm.s32 @p2 $0x1  }
0x17: {  	s4 =	simm.s32 $0x1BF5;
	[smem:$0x3FBB] =	sst s0  }
0x18: {  	s0 =	sld [smem:$0x3F9E];
	_ =	swait.ge [sflag:s4], $0x0  }
0x19: {  	s7 =	sld [smem:$0x3F9F]  }
0x1a: {  	s8 =	sadd.s32 $0xFFFFE003, lr  }
0x1b: {  	s9 =	sadd.s32 $0xFFFFFEF7, lr;
	s5 =	simm.s32 $0xFFFFFFFF;
	p2 =	slt.u32 s8, $0xFFFFF086  }
0x1c: {  	p1 =	slt.u32 s9, $0xF7A;
	s5 =	simm.s32 @!p2 $0x0  }
0x1d: {  	s5 =	simm.s32 @p1 $0x1;
	p0 =	seq.s32 s7, s2  }
0x1e: {  	s7 =	smul.u32 @!p0 $0xF7A, s2;
	p2 =	seq.s32 @!p0 s5, $0x0  }
0x1f: {  	s9 =	smul.u32 $0xF7A, s1;
	s8 =	simm.s32 @!p0 $0x1BF5;
	p2 =	por !p2, p0  }
0x20: {  	[sflag:s8] =	ssyncset.s32 @!p0 $0xFFFFF086;
	s6 =	sadd.s32 @!p0 s3, s7;
	s7 =	simm.s32 @!p0 $0x108  }
0x21: {  	s3 =	sadd.s32 s3, s9;
	s6 =	sadd.s32 @!p0 $0x88, s6;
	s7 =	simm.s32 @p2 $0x1082  }
0x22: {  	[simem:s7], [sflag:s8] =	dma.local @!p0 [hbm:s6], $0xF7A  }
0x23: {  	s9 =	sor.u32 $0xD0000000, s2;
	s6 =	simm.s32 $0x108;
	_ =	swait.ge @!p0 [sflag:s8], $0x0  }
0x24: {  	s3 =	sadd.s32 $0x88, s3;
	s6 =	simm.s32 @!p1 $0x1082;
	[sflag:s4] =	ssyncset.s32 $0xFFFFF086  }
0x25: {  	[simem:s6], [sflag:s4] =	dma.local [hbm:s3], $0xF7A  }
0x26: {  	[smem:$0x3F9F] =	sst s1;
	(tag) =	ssettag s2;
	_ =	strace s9  }
0x27: {  	s1 =	sld [smem:$0x3FAF]  }
0x28: {  	s2 =	sld [smem:$0x3FB0]  }
0x29: {  	s4 =	sld [smem:$0x3FB2]  }
0x2a: {  	p0 =	seq.s32 s5, $0x0;
	s5 =	sld [smem:$0x3FB3]  }
0x2b: {  	s6 =	sld [smem:$0x3FB4]  }
0x2c: {  	s7 =	sld [smem:$0x3FB5]  }
0x2d: {  	s3 =	simm.s32 $0x108;
	s8 =	sld [smem:$0x3FB6]  }
0x2e: {  	s3 =	simm.s32 @!p0 $0x1082;
	s9 =	sld [smem:$0x3FB7]  }
0x2f: {  	lr =	sadd.s32 s0, s3;
	s0 =	sld [smem:$0x3FAE]  }
0x30: {  	s3 =	sld [smem:$0x3FB1]  }
0x31: {  	[smem:$0x3FBA] =	sst s10  }
0x32: {  	s10 =	sld [smem:$0x3FB8];
	_ =	sdelay $0x3  }
0x33: {  	p0 =	seq.s32 s10, $0x1;
	s10 =	sld [smem:$0x3FBA];
	_ =	sdelay $0x3  }
0x34: {  	[smem:$0x3FBA] =	sst s10  }
0x35: {  	s10 =	sld [smem:$0x3FB9];
	_ =	sdelay $0x3  }
0x36: {  	p1 =	seq.s32 s10, $0x1;
	s10 =	sld [smem:$0x3FBA];
	_ =	sdelay $0x3  }
0x37: {  	[smem:$0x3FBA] =	sst s10  }
0x38: {  	s10 =	sld [smem:$0x3FBB]  }
0x39: {  	_ = 	snop;
	(pc) =	sbr.ind lr, $3  }
0x3a: {  	_ = 	snop  }
0x3b: {  	_ = 	snop  }
0x3c: {  	p2 =	seq.s32 s10, $0x1;
	s10 =	sld [smem:$0x3FBA]  }
0x3d: {  	_ =	shalt  }
0x3e: {  	_ =	shalt  }
0x3f: {  	_ =	shalt  }
0x40: {  	_ =	shalt  }
0x41: {  	_ =	shalt  }
0x42: {  	_ =	shalt  }
0x43: {  	_ =	shalt  }
0x44: {  	_ =	shalt  }
0x45: {  	_ =	shalt  }
0x46: {  	_ =	shalt  }
0x47: {  	_ =	shalt  }
0x48: {  	_ =	shalt  }
0x49: {  	_ =	shalt  }
0x4a: {  	_ =	shalt  }
0x4b: {  	_ =	shalt  }
0x4c: {  	_ =	shalt  }
0x4d: {  	_ =	shalt  }
0x4e: {  	_ =	shalt  }
0x4f: {  	_ =	shalt  }
0x50: {  	_ =	shalt  }
0x51: {  	_ =	shalt  }
0x52: {  	_ =	shalt  }
0x53: {  	_ =	shalt  }
0x54: {  	_ =	shalt  }
0x55: {  	_ =	shalt  }
0x56: {  	_ =	shalt  }
0x57: {  	_ =	shalt  }
0x58: {  	_ =	shalt  }
0x59: {  	_ =	shalt  }
0x5a: {  	_ =	shalt  }
0x5b: {  	_ =	shalt  }
0x5c: {  	_ =	shalt  }
0x5d: {  	_ =	shalt  }
0x5e: {  	_ =	shalt  }
0x5f: {  	_ =	shalt  }
0x60: {  	_ =	shalt  }
0x61: {  	_ =	shalt  }
0x62: {  	_ =	shalt  }
0x63: {  	_ =	shalt  }
0x64: {  	_ =	shalt  }
0x65: {  	_ =	shalt  }
0x66: {  	_ =	shalt  }
0x67: {  	_ =	shalt  }
0x68: {  	_ =	shalt  }
0x69: {  	_ =	shalt  }
0x6a: {  	_ =	shalt  }
0x6b: {  	_ =	shalt  }
0x6c: {  	_ =	shalt  }
0x6d: {  	_ =	shalt  }
0x6e: {  	_ =	shalt  }
0x6f: {  	_ =	shalt  }
0x70: {  	_ =	shalt  }
0x71: {  	_ =	shalt  }
0x72: {  	_ =	shalt  }
0x73: {  	_ =	shalt  }
0x74: {  	_ =	shalt  }
0x75: {  	_ =	shalt  }
0x76: {  	_ =	shalt  }
0x77: {  	_ =	shalt  }
0x78: {  	_ =	shalt  }
0x79: {  	_ =	shalt  }
0x7a: {  	_ =	shalt  }
0x7b: {  	_ =	shalt  }
0x7c: {  	_ =	shalt  }
0x7d: {  	_ =	shalt  }
0x7e: {  	_ =	shalt  }
0x7f: {  	_ =	shalt  }
0x80: {  	_ =	shalt  }
0x81: {  	_ =	shalt  }
0x82: {  	_ =	shalt  }
0x83: {  	_ =	shalt  }
0x84: {  	_ =	shalt  }
0x85: {  	_ =	shalt  }
0x86: {  	_ =	shalt  }
0x87: {  	_ =	shalt  }
.Lfunc_end0:
.L_simem_size_0:
called_computation_lowered:
.L_overlay_start_0:
0x88: {  	s2 =	sld [smem:$0x3FD9]  }
0x89: {  	s3 =	sld [smem:$0x3FFE];
	_ =	sdelay $0x1  }
0x8a: {  	s1 =	srdreg.scid  }
0x8b: {  	s0 =	sand.u32 $0x1, s1  }
0x8c: {  	s18 =	sshll.u32 s0, $0xA;
	s2 =	sadd.s32 s3, s2  }
0x8d: {  	s2 =	sadd.s32 s2, s18  }
0x8e: {  	[smem:$0x3FC6] =	sst s2  }
0x8f: {  	_ = 	snop  }
0x90: {  	s2 =	sld [smem:$0x3FC9]  }
0x91: {  	s19 =	sld [smem:$0x3FC8]  }
0x92: {  	s4 =	sld [smem:$0x3FD0];
	(tm) =	ssettm $0x1  }
0x93: {  	s5 =	sld [smem:$0x3FFB];
	_ =	sdelay $0x3  }
0x94: {  	_ =	strace s5  }
0x95: {  	s5 =	sld [smem:$0x3FFC];
	_ =	sdelay $0x3  }
0x96: {  	_ =	strace s5  }
0x97: {  	s5 =	sld [smem:$0x3FFD];
	_ =	sdelay $0x3  }
0x98: {  	_ =	strace s5  }
0x99: {  	_ =	strace $0x8FFFFFFF  }
0x9a: {  	s20 =	sld [smem:$0x3FDB];
	_ =	sdelay $0x1  }
0x9b: {  	s6 =	simm.s32 $_scs_section_size  }
0x9c: {  	s7 =	simm.s32 $_size__tile_overlayer_lowered;
	s8 =	simm.s32 $_tile_overlayer_lowered  }
0x9d: {  	s23 =	simm.s32 $0x1BFF;
	s22 =	sshll.u32 s8, $0x1;
	s5 =	sadd.s32 s6, s20  }
0x9e: {  	s9 =	simm.s32 $0x0;
	s21 =	sshll.u32 s7, $0x1;
	s7 =	sadd.s32 s22, s5  }
0x9f: {  	[timem:s9], [sflag:s23] =	dma.local [hbm:s7], s21  }
0xa0: {  	_ =	swait.ge [sflag:s23], s21  }
0xa1: {  	s6 =	ssub.s32 $0x0, s21;
	[sflag:s23] =	ssyncset.done $0x0  }
0xa2: {  	[sflag:s23] =	ssyncadd.s32 s6;
	_ =	sdelay $0x1  }
0xa3: {  	s24 =	simm.s32 $0x1B8B  }
0xa4: {  	_ =	swait.ge [sflag:s24], $0x1  }
0xa5: {  	[sflag:s24] =	ssyncset.done $0x0  }
0xa6: {  	s25 =	simm.s32 $0x1B8E;
	[sflag:s24] =	ssyncadd.s32 $0xFFFFFFFF  }
0xa7: {  	s26 =	simm.s32 $execute0_lowered;
	[smem:$0x3FD2] =	sst s25  }
0xa8: {  	s6 =	sshll.u32 s26, $0x1;
	_ =	strace $0x80000046;
	[dreg:$0x1] =	wrdreg $0xFFFFFFFF  }
0xa9: {  	s28 =	simm.s32 $_size_execute0_lowered;
	s5 =	sadd.s32 s5, s6;
	[dreg:$0x0] =	wrdreg $0x0  }
0xaa: {  	s6 =	sshll.u32 s28, $0x1;
	[dreg:$0x2] =	wrdreg s5  }
0xab: {  	[dreg:$0x3] =	wrdreg s6  }
0xac: {  	[dreg:$0x4] =	wrdreg $0xC0  }
0xad: {  	_ =	task [dreg:s9], $0x5FFFF  }
0xae: {  	[dreg:$0x1] =	wrdreg $0xFFFFFFFF  }
0xaf: {  	[dreg:$0x0] =	wrdreg $0x60  }
0xb0: {  	[dreg:$0x2] =	wrdreg s19  }
0xb1: {  	[dreg:$0x3] =	wrdreg s2  }
0xb2: {  	[dreg:$0x4] =	wrdreg s4  }
0xb3: {  	[dreg:$0x5] =	wrdreg $0x0  }
0xb4: {  	[dreg:$0x6] =	wrdreg $0x9  }
0xb5: {  	_ =	task.clear_ibuf [dreg:s9], $0x7FFFF;
	_ =	strace $0x90000046  }
0xb6: {  	s29 =	simm.s32 $0x9;
	_ =	strace $0x80000048  }
0xb7: {  	_ =	swait.ge [sflag:s29], $0x1  }
0xb8: {  	[sflag:s29] =	ssyncadd.s32 $0xFFFFFFFF  }
0xb9: {  	_ =	strace $0x90000048  }
0xba: {  	_ =	sfence  }
0xbb: {  	s30 =	sld [smem:$0x0];
	_ =	sdelay $0x2  }
0xbc: {  	s31 =	sshll.u32 s1, $0xD;
	s1 =	sshrl.u32 s1, $0x2  }
0xbd: {  	s3 =	sand.u32 $0x4000, s31;
	s1 =	sadd.s32 s1, s30  }
0xbe: {  	s0 =	sor.u32 s3, s0;
	s1 =	sshll.u32 s1, $0x11  }
0xbf: {  	s0 =	sor.u32 s1, s0  }
0xc0: {  	s0 =	sadd.s32 $0x8F2B, s0  }
0xc1: {  	[sflag:s0] =	ssyncadd.remote.s32 $0x1  }
0xc2: {  	_ =	sfence.sel $0xFFFF  }
0xc3: {  	[dreg:$0x0] =	wrdreg $0xFFFFFFFF;
	(pc) =	sbr.abs _section_cstart, $3  }
0xc4: {  	[dreg:$0x1] =	wrdreg $0xFFFFFFFF  }
0xc5: {  	_ =	task.clear_ibuf [dreg:s9], $0x2FFFF;
	_ =	strace $0x9FFFFFFF  }
0xc6: {  	(tm) =	ssettm $0x7FFFFFFF  }
0xc7: {  	_ =	shalt  }
tec
execute0_lowered:
.L_overlay_start_1:
0x0: {  	(tag) =	ssettag $0x1  }
0x1: {  	s1 =	rddreg [dreg:$0x0]  }
0x2: {  	s0 =	rddreg [dreg:$0x1]  }
0x3: {  	s2 =	rddreg [dreg:$0x2]  }
0x4: {  	s3 =	srdreg.scid;
	s4 =	rddreg [dreg:$0x3]  }
0x5: {  	s6 =	simm.s32 $0x0;
	s9 =	stileid.u32;
	s13 =	simm.s32 $0x1  }
0x6: {  	s14 =	simm.s32 $0x80;
	s28 =	simm.s32 $0xA200;
	s29 =	simm.s32 $0xB200  }
0x7: {  	v1 =	vimm.s32 $0x1380;
	vm0 =	vcmask $0x300;
	v2 =	vimm.s32 $0x3380;
	s30 =	simm.s32 $0x200;
	s31 =	simm.s32 $0x2;
	s3 =	sand.u32 $0x1, s3  }
0x8: {  	vm1 =	vcmask $0x704;
	vm15 =	vcmask $0xB08;
	vm4 =	vcmask $0xF0C;
	[smem:$0x7FF] =	sst s6;
	s16 =	sshll.u32 s9, $0xA;
	s7 =	sshll.u32 s9, $0x9  }
0x9: {  	vm5 =	vcmask $0x1310;
	s8 =	sshll.u32 s9, $0x7;
	v1 =	vsel vm0, $0x0, v1;
	v2 =	vsel vm0, $0x2000, v2;
	s20 =	sshll.u32 s9, $0x6;
	s5 =	ssub.s32 $0x2, s3  }
0xa: {  	_ =	strace $0x80000047;
	s3 =	sshll.u32 s3, $0x9;
	s17 =	sand.u32 $0x1000, s7;
	v1 =	vsel vm1, $0x80, v1;
	v2 =	vsel vm1, $0x2080, v2  }
0xb: {  	v0 =	vlaneseq.u32;
	s18 =	sand.u32 $0x380, s8;
	s21 =	sor.u32 $0x1C09, s20;
	s20 =	simm.s32 $0x7A1400;
	v1 =	vsel vm15, $0x100, v1;
	v2 =	vsel vm15, $0x2100, v2  }
0xc: {  	vm6 =	vcmask $0x1714;
	s15 =	sshrl.u32 s5, $0x1;
	s3 =	sor.u32 s3, s16;
	s4 =	sadd.s32 s17, s4;
	v1 =	vsel vm4, $0x180, v1;
	v2 =	vsel vm4, $0x2180, v2  }
0xd: {  	vm7 =	vcmask $0x1B18;
	[dreg:$0x6] =	wrdreg s21;
	s16 =	simm.s32 $0x9;
	s21 =	simm.s32 $0x4200;
	v1 =	vsel vm5, $0x200, v1;
	v2 =	vsel vm5, $0x2200, v2  }
0xe: {  	vm8 =	vcmask $0x1F1C;
	s17 =	simm.s32 $0x7;
	s5 =	ssub.s32 s5, s15;
	s19 =	sshrl.u32 s3, $0x3;
	v1 =	vsel vm6, $0x280, v1;
	v2 =	vsel vm6, $0x2280, v2  }
0xf: {  	vm9 =	vcmask $0x2320;
	s4 =	sadd.s32 s18, s4;
	s22 =	sadd.s32 s2, s3;
	s18 =	simm.s32 $0x400;
	v1 =	vsel vm7, $0x300, v1;
	v2 =	vsel vm7, $0x2300, v2  }
0x10: {  	vm10 =	vcmask $0x2724;
	s2 =	simm.s32 $0x4;
	s3 =	simm.s32 $0x5;
	s15 =	simm.s32 $0x6;
	v1 =	vsel vm8, $0x380, v1;
	v2 =	vsel vm8, $0x2380, v2  }
0x11: {  	vm11 =	vcmask $0x2B28;
	s0 =	sadd.s32 s0, s19;
	[dreg:$0x7] =	wrdreg s22;
	s23 =	smax.u32 s5, $0x1;
	v1 =	vsel vm9, $0x1000, v1;
	v2 =	vsel vm9, $0x3000, v2  }
0x12: {  	vm12 =	vcmask $0x2F2C;
	s24 =	sadd.s32 $0x400, s4;
	s25 =	sadd.s32 $0x800, s4;
	[dreg:$0x5] =	wrdreg s0;
	v1 =	vsel vm10, $0x1080, v1;
	v2 =	vsel vm10, $0x3080, v2  }
.Ltmp0:
0x13: {  	vm13 =	vcmask $0x3330;
	s26 =	sadd.s32 $0xC00, s4;
	[dreg:$0x8] =	wrdreg s23;
	v1 =	vsel vm11, $0x1100, v1;
	v2 =	vsel vm11, $0x3100, v2;
	(pc) =	sbr.rel .LBB2_1-.Ltmp0, $4  }
0x14: {  	vm14 =	vcmask $0x3734;
	s12 =	sshrl.u32 s4, $0x3;
	s22 =	simm.s32 $0x5200;
	[dreg:$0x9] =	wrdreg s24;
	v1 =	vsel vm12, $0x1180, v1;
	v2 =	vsel vm12, $0x3180, v2  }
0x15: {  	v0 =	vmul.u32 $0x80, v0;
	s19 =	simm.s32 $0x8;
	s5 =	simm.s32 $0x0;
	[dreg:$0xa] =	wrdreg s25;
	v1 =	vsel vm13, $0x1200, v1;
	v2 =	vsel vm13, $0x3200, v2  }
0x16: {  	vm15 =	vcmask $0x3B38;
	[dreg:$0xb] =	wrdreg s26;
	s23 =	simm.s32 $0x6200;
	s24 =	simm.s32 $0x7200;
	v3 =	vsel vm14, $0x1280, v1;
	v4 =	vsel vm14, $0x3280, v2  }
0x17: {  	s25 =	simm.s32 $0x8200;
	s26 =	simm.s32 $0x9200;
	s0 =	simm.s32 $0x3;
	v1 =	vor.u32 $0x800, v0;
	v2 =	vsel vm15, $0x1300, v3;
	v3 =	vsel vm15, $0x3300, v4  }
.LBB2_4:
0x18: {  	s6 =	rddreg [dreg:$0x7];
	s7 =	simm.s32 $0x1000;
	s8 =	simm.s32 $0x20000  }
0x19: {  	[hbm4b:s6+s7] =	stream.strided.scatter [tilespmem:s30], [sflag:$0x9], $0x4000, s8, s7, $0x38;
	[tilespmem:$0xC200] =	vst v63  }
0x1a: {  	_ =	swait.ge [sflag:s16], $0x4000  }
0x1b: {  	s5 =	sadd.s32 $0x1, s5;
	s11 =	rddreg [dreg:$0x8]  }
0x1c: {  	p0 =	sne.s32 s5, s11  }
.Ltmp1:
0x1d: {  	_ = 	snop;
	(pc) =	sbr.rel @!p0 .LBB2_5-.Ltmp1, $3  }
0x1e: {  	_ =	sdelay $0x1  }
0x1f: {  	[sflag:s16] =	ssyncset.done $0x0  }
0x20: {  	[sflag:s16] =	ssyncadd.s32 $0xFFFFC000  }
.LBB2_1:
0x21: {  	s6 =	rddreg [dreg:$0x5]  }
0x22: {  	s7 =	rddreg [dreg:$0x6];
	s8 =	simm.s32 $0x10  }
0x23: {  	[spmem:s12@s14], [sflag:s7] =	dma.strided [hbm:s6@s8], $0x40, s13, $0x10   }
0x24: {  	_ =	swait.ge [sflag:s16], $0x40  }
0x25: {  	[sflag:s16] =	ssyncset.done $0x0  }
0x26: {  	s7 =	simm.s32 $0x0;
	[sflag:s16] =	ssyncadd.s32 $0xFFFFFFC0  }
0x27: {  	[smem:s7], [sflag:$0x9] =	stream.linear.gather [spmem:s4], $0x80, $0x38;
	[tilespmem:$0xC200] =	vst v63  }
0x28: {  	s6 =	rddreg [dreg:$0x9]  }
0x29: {  	[smem:s14], [sflag:$0x9] =	stream.linear.gather [spmem:s6], $0x80, $0x38;
	[tilespmem:$0xC200] =	vst v63  }
0x2a: {  	s8 =	simm.s32 $0x100;
	s6 =	rddreg [dreg:$0xa]  }
0x2b: {  	[smem:s8], [sflag:$0x9] =	stream.linear.gather [spmem:s6], $0x80, $0x38;
	[tilespmem:$0xC200] =	vst v63  }
0x2c: {  	s9 =	simm.s32 $0x180;
	s6 =	rddreg [dreg:$0xb]  }
0x2d: {  	[smem:s9], [sflag:$0x9] =	stream.linear.gather [spmem:s6], $0x80, $0x38;
	[tilespmem:$0xC200] =	vst v63  }
0x2e: {  	_ =	swait.ge [sflag:s16], $0x200  }
0x2f: {  	[sflag:s16] =	ssyncset.done $0x0  }
0x30: {  	[sflag:s16] =	ssyncadd.s32 $0xFFFFFE00  }
0x31: {  	s10 =	sld [smem:$0x0]  }
0x32: {  	s11 =	sld [smem:$0x1];
	_ =	sdelay $0x1  }
0x33: {  	s9 =	sld [smem:$0x2];
	s6 =	sand.u32 $0xFFFFF80, s10  }
0x34: {  	s8 =	sand.u32 $0xFFFFF80, s11;
	s11 =	sld [smem:$0x3];
	s6 =	sadd.s32 s1, s6  }
0x35: {  	[tilespmem:s21], [sflag:$0x1] =	stream.strided.gather [hbm4b:s6+s18], $0x1000, s20, s18, $0x38;
	[tilespmem:$0xC200] =	vst v63  }
0x36: {  	s10 =	sand.u32 $0xFFFFF80, s9;
	s9 =	sld [smem:$0x4];
	s6 =	sadd.s32 s1, s8  }
0x37: {  	[tilespmem:s22], [sflag:$0x2] =	stream.strided.gather [hbm4b:s6+s18], $0x1000, s20, s18, $0x38;
	[tilespmem:$0xC200] =	vst v63  }
0x38: {  	s8 =	sand.u32 $0xFFFFF80, s11;
	s11 =	sld [smem:$0x5];
	s6 =	sadd.s32 s1, s10  }
0x39: {  	[tilespmem:s23], [sflag:$0x3] =	stream.strided.gather [hbm4b:s6+s18], $0x1000, s20, s18, $0x38;
	[tilespmem:$0xC200] =	vst v63  }
0x3a: {  	s10 =	sand.u32 $0xFFFFF80, s9;
	s6 =	sadd.s32 s1, s8;
	s8 =	sld [smem:$0x6]  }
0x3b: {  	[tilespmem:s24], [sflag:$0x4] =	stream.strided.gather [hbm4b:s6+s18], $0x1000, s20, s18, $0x38;
	[tilespmem:$0xC200] =	vst v63  }
0x3c: {  	s7 =	sand.u32 $0xFFFFF80, s11;
	s6 =	sadd.s32 s1, s10;
	s10 =	sld [smem:$0x7]  }
0x3d: {  	[tilespmem:s25], [sflag:$0x5] =	stream.strided.gather [hbm4b:s6+s18], $0x1000, s20, s18, $0x38;
	[tilespmem:$0xC200] =	vst v63  }
0x3e: {  	s9 =	sand.u32 $0xFFFFF80, s8;
	s6 =	sadd.s32 s1, s7  }
0x3f: {  	[tilespmem:s26], [sflag:$0x6] =	stream.strided.gather [hbm4b:s6+s18], $0x1000, s20, s18, $0x38;
	[tilespmem:$0xC200] =	vst v63  }
0x40: {  	s11 =	sand.u32 $0xFFFFF80, s10;
	s6 =	sadd.s32 s1, s9  }
0x41: {  	[tilespmem:s28], [sflag:$0x7] =	stream.strided.gather [hbm4b:s6+s18], $0x1000, s20, s18, $0x38;
	[tilespmem:$0xC200] =	vst v63  }
0x42: {  	s6 =	sadd.s32 s1, s11  }
0x43: {  	[tilespmem:s29], [sflag:$0x8] =	stream.strided.gather [hbm4b:s6+s18], $0x1000, s20, s18, $0x38;
	[tilespmem:$0xC200] =	vst v63  }
0x44: {  	s7 =	simm.s32 $0x7;
	s6 =	simm.s32 $0x8  }
.LBB2_2:
0x45: {  	_ =	swait.ge [sflag:s13], $0x1000  }
0x46: {  	[sflag:s13] =	ssyncset.done $0x0  }
0x47: {  	[sflag:s13] =	ssyncadd.s32 $0xFFFFF000  }
0x48: {  	s8 =	sld [smem:s6+$0xFFFFFFF8];
	_ =	sdelay $0x2  }
0x49: {  	s8 =	sand.u32 $0x7F, s8  }
0x4a: {  	s9 =	sadd.s32 $0xFFFFFFF9, s7;
	v4 =	vor.u32 s8, v0  }
0x4b: {  	v5 =	vmov s9;
	v6 =	vor.u32 s8, v1  }
0x4c: {  	v7 =	vshll.u32 v5, $0x3  }
0x4d: {  	v5 =	vand.u32 $0x78, v5;
	v7 =	vand.u32 $0xFFFFFC00, v7  }
0x4e: {  	v5 =	vor.u32 v5, v7  }
0x4f: {  	v7 =	vadd.s32 v2, v5;
	v4 =	vld.idx.msk [tilespmem:v4+s21+$0x0], $0xffff  }
0x50: {  	p0 =	seq.s32 s7, $0x1FF;
	v5 =	vadd.s32 v3, v5;
	v6 =	vld.idx.msk [tilespmem:v6+s21+$0x0], $0xffff  }
0x51: {  	s8 =	sld @!p0 [smem:s6+$0x0];
	_ =	sdelay $0x2  }
0x52: {  	s9 =	simm.s32 @!p0 $0x7A1400;
	s8 =	sand.u32 @!p0 $0xFFFFF80, s8;
	[tilespmem:v7+s30+$0x0] =	vst.idx.msk $0xffff, v4  }
0x53: {  	s11 =	simm.s32 @!p0 $0x4200;
	s10 =	sadd.s32 @!p0 s1, s8;
	s8 =	simm.s32 @!p0 $0x400;
	[tilespmem:v5+s30+$0x0] =	vst.idx.msk $0xffff, v6  }
0x54: {  	[tilespmem:s11], [sflag:$0x1] =	stream.strided.gather @!p0 [hbm4b:s10+s8], $0x1000, s9, s8, $0x38;
	[tilespmem:$0xC200] =	vst v63  }
0x55: {  	_ =	swait.ge [sflag:s31], $0x1000  }
0x56: {  	[sflag:s31] =	ssyncset.done $0x0  }
0x57: {  	[sflag:s31] =	ssyncadd.s32 $0xFFFFF000  }
0x58: {  	s11 =	sld [smem:s6+$0xFFFFFFF9];
	_ =	sdelay $0x2  }
0x59: {  	s10 =	sand.u32 $0x7F, s11  }
0x5a: {  	s11 =	sadd.s32 $0xFFFFFFFA, s7;
	v4 =	vor.u32 s10, v0  }
0x5b: {  	v5 =	vmov s11;
	v50 =	vor.u32 s10, v1  }
0x5c: {  	v51 =	vshll.u32 v5, $0x3  }
0x5d: {  	v5 =	vand.u32 $0x79, v5;
	v7 =	vand.u32 $0xFFFFFC00, v51  }
0x5e: {  	v5 =	vor.u32 v5, v7  }
0x5f: {  	v7 =	vadd.s32 v2, v5;
	v4 =	vld.idx.msk [tilespmem:v4+s22+$0x0], $0xffff  }
0x60: {  	v5 =	vadd.s32 v3, v5;
	v6 =	vld.idx.msk [tilespmem:v50+s22+$0x0], $0xffff  }
0x61: {  	s10 =	sld @!p0 [smem:s6+$0x1];
	_ =	sdelay $0x2  }
0x62: {  	s10 =	sand.u32 @!p0 $0xFFFFF80, s10;
	[tilespmem:v7+s30+$0x0] =	vst.idx.msk $0xffff, v4  }
0x63: {  	s11 =	simm.s32 @!p0 $0x5200;
	s10 =	sadd.s32 @!p0 s1, s10;
	[tilespmem:v5+s30+$0x0] =	vst.idx.msk $0xffff, v6  }
0x64: {  	[tilespmem:s11], [sflag:$0x2] =	stream.strided.gather @!p0 [hbm4b:s10+s8], $0x1000, s9, s8, $0x38;
	[tilespmem:$0xC200] =	vst v63  }
0x65: {  	_ =	swait.ge [sflag:s0], $0x1000  }
0x66: {  	[sflag:s0] =	ssyncset.done $0x0  }
0x67: {  	[sflag:s0] =	ssyncadd.s32 $0xFFFFF000  }
0x68: {  	s11 =	sld [smem:s6+$0xFFFFFFFA];
	_ =	sdelay $0x2  }
0x69: {  	s10 =	sand.u32 $0x7F, s11  }
0x6a: {  	s11 =	sadd.s32 $0xFFFFFFFB, s7;
	v4 =	vor.u32 s10, v0  }
0x6b: {  	v5 =	vmov s11;
	v52 =	vor.u32 s10, v1  }
0x6c: {  	v53 =	vshll.u32 v5, $0x3  }
0x6d: {  	v5 =	vand.u32 $0x7A, v5;
	v7 =	vand.u32 $0xFFFFFC00, v53  }
0x6e: {  	v5 =	vor.u32 v5, v7  }
0x6f: {  	v7 =	vadd.s32 v2, v5;
	v4 =	vld.idx.msk [tilespmem:v4+s23+$0x0], $0xffff  }
0x70: {  	v5 =	vadd.s32 v3, v5;
	v6 =	vld.idx.msk [tilespmem:v52+s23+$0x0], $0xffff  }
0x71: {  	s10 =	sld @!p0 [smem:s6+$0x2];
	_ =	sdelay $0x2  }
0x72: {  	s10 =	sand.u32 @!p0 $0xFFFFF80, s10;
	[tilespmem:v7+s30+$0x0] =	vst.idx.msk $0xffff, v4  }
0x73: {  	s11 =	simm.s32 @!p0 $0x6200;
	s10 =	sadd.s32 @!p0 s1, s10;
	[tilespmem:v5+s30+$0x0] =	vst.idx.msk $0xffff, v6  }
0x74: {  	[tilespmem:s11], [sflag:$0x3] =	stream.strided.gather @!p0 [hbm4b:s10+s8], $0x1000, s9, s8, $0x38;
	[tilespmem:$0xC200] =	vst v63  }
0x75: {  	_ =	swait.ge [sflag:s2], $0x1000  }
0x76: {  	[sflag:s2] =	ssyncset.done $0x0  }
0x77: {  	[sflag:s2] =	ssyncadd.s32 $0xFFFFF000  }
0x78: {  	s11 =	sld [smem:s6+$0xFFFFFFFB];
	_ =	sdelay $0x2  }
0x79: {  	s10 =	sand.u32 $0x7F, s11  }
0x7a: {  	s11 =	sadd.s32 $0xFFFFFFFC, s7;
	v4 =	vor.u32 s10, v0  }
0x7b: {  	v5 =	vmov s11;
	v54 =	vor.u32 s10, v1  }
0x7c: {  	v55 =	vshll.u32 v5, $0x3  }
0x7d: {  	v5 =	vand.u32 $0x7B, v5;
	v7 =	vand.u32 $0xFFFFFC00, v55  }
0x7e: {  	v5 =	vor.u32 v5, v7  }
0x7f: {  	v7 =	vadd.s32 v2, v5;
	v4 =	vld.idx.msk [tilespmem:v4+s24+$0x0], $0xffff  }
0x80: {  	v5 =	vadd.s32 v3, v5;
	v6 =	vld.idx.msk [tilespmem:v54+s24+$0x0], $0xffff  }
0x81: {  	s10 =	sld @!p0 [smem:s6+$0x3];
	_ =	sdelay $0x2  }
0x82: {  	s10 =	sand.u32 @!p0 $0xFFFFF80, s10;
	[tilespmem:v7+s30+$0x0] =	vst.idx.msk $0xffff, v4  }
0x83: {  	s11 =	simm.s32 @!p0 $0x7200;
	s10 =	sadd.s32 @!p0 s1, s10;
	[tilespmem:v5+s30+$0x0] =	vst.idx.msk $0xffff, v6  }
0x84: {  	[tilespmem:s11], [sflag:$0x4] =	stream.strided.gather @!p0 [hbm4b:s10+s8], $0x1000, s9, s8, $0x38;
	[tilespmem:$0xC200] =	vst v63  }
0x85: {  	_ =	swait.ge [sflag:s3], $0x1000  }
0x86: {  	[sflag:s3] =	ssyncset.done $0x0  }
0x87: {  	[sflag:s3] =	ssyncadd.s32 $0xFFFFF000  }
0x88: {  	s11 =	sld [smem:s6+$0xFFFFFFFC];
	_ =	sdelay $0x2  }
0x89: {  	s10 =	sand.u32 $0x7F, s11  }
0x8a: {  	s11 =	sadd.s32 $0xFFFFFFFD, s7;
	v4 =	vor.u32 s10, v0  }
0x8b: {  	v5 =	vmov s11;
	v56 =	vor.u32 s10, v1  }
0x8c: {  	v57 =	vshll.u32 v5, $0x3  }
0x8d: {  	v5 =	vand.u32 $0x7C, v5;
	v7 =	vand.u32 $0xFFFFFC00, v57  }
0x8e: {  	v5 =	vor.u32 v5, v7  }
0x8f: {  	v7 =	vadd.s32 v2, v5;
	v4 =	vld.idx.msk [tilespmem:v4+s25+$0x0], $0xffff  }
0x90: {  	v5 =	vadd.s32 v3, v5;
	v6 =	vld.idx.msk [tilespmem:v56+s25+$0x0], $0xffff  }
0x91: {  	s10 =	sld @!p0 [smem:s6+$0x4];
	_ =	sdelay $0x2  }
0x92: {  	s10 =	sand.u32 @!p0 $0xFFFFF80, s10;
	[tilespmem:v7+s30+$0x0] =	vst.idx.msk $0xffff, v4  }
0x93: {  	s11 =	simm.s32 @!p0 $0x8200;
	s10 =	sadd.s32 @!p0 s1, s10;
	[tilespmem:v5+s30+$0x0] =	vst.idx.msk $0xffff, v6  }
0x94: {  	[tilespmem:s11], [sflag:$0x5] =	stream.strided.gather @!p0 [hbm4b:s10+s8], $0x1000, s9, s8, $0x38;
	[tilespmem:$0xC200] =	vst v63  }
0x95: {  	_ =	swait.ge [sflag:s15], $0x1000  }
0x96: {  	[sflag:s15] =	ssyncset.done $0x0  }
0x97: {  	[sflag:s15] =	ssyncadd.s32 $0xFFFFF000  }
0x98: {  	s11 =	sld [smem:s6+$0xFFFFFFFD];
	_ =	sdelay $0x2  }
0x99: {  	s10 =	sand.u32 $0x7F, s11  }
0x9a: {  	s11 =	sadd.s32 $0xFFFFFFFE, s7;
	v4 =	vor.u32 s10, v0  }
0x9b: {  	v5 =	vmov s11;
	v58 =	vor.u32 s10, v1  }
0x9c: {  	v59 =	vshll.u32 v5, $0x3  }
0x9d: {  	v5 =	vand.u32 $0x7D, v5;
	v7 =	vand.u32 $0xFFFFFC00, v59  }
0x9e: {  	v5 =	vor.u32 v5, v7  }
0x9f: {  	v7 =	vadd.s32 v2, v5;
	v4 =	vld.idx.msk [tilespmem:v4+s26+$0x0], $0xffff  }
0xa0: {  	v5 =	vadd.s32 v3, v5;
	v6 =	vld.idx.msk [tilespmem:v58+s26+$0x0], $0xffff  }
0xa1: {  	s10 =	sld @!p0 [smem:s6+$0x5];
	_ =	sdelay $0x2  }
0xa2: {  	s10 =	sand.u32 @!p0 $0xFFFFF80, s10;
	[tilespmem:v7+s30+$0x0] =	vst.idx.msk $0xffff, v4  }
0xa3: {  	s11 =	simm.s32 @!p0 $0x9200;
	s10 =	sadd.s32 @!p0 s1, s10;
	[tilespmem:v5+s30+$0x0] =	vst.idx.msk $0xffff, v6  }
0xa4: {  	[tilespmem:s11], [sflag:$0x6] =	stream.strided.gather @!p0 [hbm4b:s10+s8], $0x1000, s9, s8, $0x38;
	[tilespmem:$0xC200] =	vst v63  }
0xa5: {  	_ =	swait.ge [sflag:s17], $0x1000  }
0xa6: {  	[sflag:s17] =	ssyncset.done $0x0  }
0xa7: {  	[sflag:s17] =	ssyncadd.s32 $0xFFFFF000  }
0xa8: {  	s11 =	sld [smem:s6+$0xFFFFFFFE];
	_ =	sdelay $0x2  }
0xa9: {  	s10 =	sand.u32 $0x7F, s11  }
0xaa: {  	s11 =	sadd.s32 $0xFFFFFFFF, s7;
	v4 =	vor.u32 s10, v0  }
0xab: {  	v5 =	vmov s11;
	v60 =	vor.u32 s10, v1  }
0xac: {  	v61 =	vshll.u32 v5, $0x3  }
0xad: {  	v5 =	vand.u32 $0x7E, v5;
	v7 =	vand.u32 $0xFFFFFC00, v61  }
0xae: {  	v5 =	vor.u32 v5, v7  }
0xaf: {  	v7 =	vadd.s32 v2, v5;
	v4 =	vld.idx.msk [tilespmem:v4+s28+$0x0], $0xffff  }
0xb0: {  	v5 =	vadd.s32 v3, v5;
	v6 =	vld.idx.msk [tilespmem:v60+s28+$0x0], $0xffff  }
0xb1: {  	s10 =	sld @!p0 [smem:s6+$0x6];
	_ =	sdelay $0x2  }
0xb2: {  	s10 =	sand.u32 @!p0 $0xFFFFF80, s10;
	[tilespmem:v7+s30+$0x0] =	vst.idx.msk $0xffff, v4  }
0xb3: {  	s11 =	simm.s32 @!p0 $0xA200;
	s10 =	sadd.s32 @!p0 s1, s10;
	[tilespmem:v5+s30+$0x0] =	vst.idx.msk $0xffff, v6  }
0xb4: {  	[tilespmem:s11], [sflag:$0x7] =	stream.strided.gather @!p0 [hbm4b:s10+s8], $0x1000, s9, s8, $0x38;
	[tilespmem:$0xC200] =	vst v63  }
0xb5: {  	_ =	swait.ge [sflag:s19], $0x1000  }
0xb6: {  	[sflag:s19] =	ssyncset.done $0x0  }
0xb7: {  	[sflag:s19] =	ssyncadd.s32 $0xFFFFF000  }
0xb8: {  	s11 =	sld [smem:s6+$0xFFFFFFFF];
	_ =	sdelay $0x2  }
0xb9: {  	s8 =	sand.u32 $0x7F, s11  }
0xba: {  	v4 =	vor.u32 s8, v0  }
0xbb: {  	v5 =	vmov s7;
	v62 =	vor.u32 s8, v1  }
0xbc: {  	v63 =	vshll.u32 v5, $0x3  }
0xbd: {  	v5 =	vand.u32 $0x7F, v5;
	v7 =	vand.u32 $0xFFFFFC00, v63  }
0xbe: {  	v5 =	vor.u32 v5, v7  }
0xbf: {  	v7 =	vadd.s32 v2, v5;
	v4 =	vld.idx.msk [tilespmem:v4+s29+$0x0], $0xffff  }
0xc0: {  	v5 =	vadd.s32 v3, v5;
	v6 =	vld.idx.msk [tilespmem:v62+s29+$0x0], $0xffff  }
.Ltmp2:
0xc1: {  	_ = 	snop;
	(pc) =	sbr.rel @p0 .LBB2_4-.Ltmp2, $3  }
0xc2: {  	_ =	sdelay $0x1  }
0xc3: {  	[tilespmem:v7+s30+$0x0] =	vst.idx.msk $0xffff, v4  }
0xc4: {  	[tilespmem:v5+s30+$0x0] =	vst.idx.msk $0xffff, v6  }
0xc5: {  	s8 =	sld [smem:s6+$0x7]  }
.Ltmp3:
0xc6: {  	_ = 	snop;
	(pc) =	sbr.rel .LBB2_2-.Ltmp3, $4  }
0xc7: {  	_ = 	snop  }
0xc8: {  	s8 =	sand.u32 $0xFFFFF80, s8  }
0xc9: {  	s7 =	sadd.s32 $0x8, s7;
	s6 =	sadd.s32 $0x8, s6;
	s8 =	sadd.s32 s1, s8  }
0xca: {  	[tilespmem:s29], [sflag:$0x8] =	stream.strided.gather [hbm4b:s8+s18], $0x1000, s20, s18, $0x38;
	[tilespmem:$0xC200] =	vst v63  }
.LBB2_5:
0xcb: {  	_ =	sfence.sel $0x180000  }
0xcc: {  	[bflag:$0x0] =	sbarrier.arrive $0xFFFF  }
0xcd: {  	_ =	strace $0x90000047  }
0xce: {  	s0 =	stileid.u32;
	[bflag:$0x2] =	sbarrier.arrive $0xFFFF  }
0xcf: {  	p0 =	sne.s32 s0, $0x0;
	s0 =	rddreg [dreg:$0x4]  }
0xd0: {  	s0 =	sadd.s32 @!p0 $0x100000, s0  }
0xd1: {  	[sflag:s0] =	ssyncadd.tile.s32 @!p0 $0x1;
	_ =	shalt  }
.Lfunc_end2:
_tile_overlayer_lowered:
.L_overlay_start_2:
0xd2: {  	(tag) =	ssettag $0x2  }
0xd3: {  	s0 =	rddreg [dreg:$0x0];
	s2 =	stileid.u32  }
0xd4: {  	s1 =	rddreg [dreg:$0x1];
	p0 =	sne.s32 s2, $0x0  }
0xd5: {  	s3 =	rddreg [dreg:$0x2];
	[bflag:$0x3] =	sbarrier.arrive $0xFFFF;
	s2 =	simm.s32 @!p0 $0x1C09  }
0xd6: {  	[timem:s3], [sflag:s2] =	dma.local @!p0 [hbm:s0], s1  }
0xd7: {  	s0 =	simm.s32 @!p0 $0x9  }
0xd8: {  	_ =	swait.ge @!p0 [sflag:s0], s1  }
0xd9: {  	s1 =	ssub.s32 @!p0 $0x0, s1;
	[sflag:s0] =	ssyncset.done @!p0 $0x0  }
0xda: {  	[sflag:s0] =	ssyncadd.s32 @!p0 s1  }
0xdb: {  	[bflag:$0x3] =	sbarrier.arrive $0xFFFF  }
0xdc: {  	_ =	shalt  }

</sc_bundles>
